<compile_context>
chip_gen: v7x
topology: tpu7x:2x2x1
jax: 0.10.2.dev20260603
libtpu: 0.0.44.dev20260713+nightly
codegen_flags: <defaults>
</compile_context>

<pallas_src>
import functools

import jax
import jax.numpy as jnp
from jax import lax
from jax.experimental import pallas as pl
from jax.experimental.pallas import tpu as pltpu, tpu_sc as plsc

_B, _P, _D = 256, 1024, 96
_ROWS_PER_BATCH = _D
_CHUNK = 16
_NW = 32
_BATCH_PER_W = _B // _NW
_NPHASE = _ROWS_PER_BATCH // _CHUNK
_NSLOT = 4
_VPR = _P // 16


def _add_block(buf, slot, tbuf, tc):
    @plsc.parallel_loop(0, _CHUNK * _VPR, unroll=8)
    def _(k):
        j = k // _VPR
        sl = pl.ds((k % _VPR) * 16, 16)
        buf[slot, j, sl] = buf[slot, j, sl] + tbuf[tc, j, sl]


def _sc_kernel(x_hbm, t_hbm, o_hbm, tbuf, buf, tsems, insems, outsems):
    nc = 2
    wid = lax.axis_index("s") * nc + lax.axis_index("c")
    row0 = wid * _BATCH_PER_W * _ROWS_PER_BATCH

    def t_copy(c, tc):
        return pltpu.make_async_copy(
            t_hbm.at[pl.ds(c * _CHUNK, _CHUNK)], tbuf.at[tc], tsems.at[tc]
        )

    def in_copy(c, b, slot):
        rows = pl.ds(row0 + b * _ROWS_PER_BATCH + c * _CHUNK, _CHUNK)
        return pltpu.make_async_copy(x_hbm.at[rows], buf.at[slot], insems.at[slot])

    def out_copy(c, b, slot):
        rows = pl.ds(row0 + b * _ROWS_PER_BATCH + c * _CHUNK, _CHUNK)
        return pltpu.make_async_copy(buf.at[slot], o_hbm.at[rows], outsems.at[slot])

    t_copy(0, 0).start()
    t_copy(1, 1).start()
    in_copy(0, 0, 0).start()
    in_copy(0, 1, 1).start()

    def phase(c, carry):
        tc = lax.rem(c, 2)
        for b in range(_BATCH_PER_W):
            slot = b % _NSLOT
            in_copy(c, b, slot).wait()
            if b == 0:
                t_copy(c, tc).wait()
            _add_block(buf, slot, tbuf, tc)
            out_copy(c, b, slot).start()
            if b >= 2:
                out_copy(c, b - 2, (b - 2) % _NSLOT).wait()
                if b + 2 < _BATCH_PER_W:
                    in_copy(c, b + 2, (b + 2) % _NSLOT).start()
                else:
                    @pl.when(c < _NPHASE - 1)
                    def _():
                        in_copy(c + 1, b + 2 - _BATCH_PER_W, (b + 2) % _NSLOT).start()
            else:
                @pl.when(c > 0)
                def _():
                    out_copy(c - 1, b + _BATCH_PER_W - 2, (b + 2) % _NSLOT).wait()
                    in_copy(c, b + 2, (b + 2) % _NSLOT).start()

                @pl.when(c == 0)
                def _():
                    in_copy(c, b + 2, (b + 2) % _NSLOT).start()
            if b == _BATCH_PER_W - 1:
                @pl.when(c < _NPHASE - 2)
                def _():
                    t_copy(c + 2, tc).start()
        return carry

    lax.fori_loop(0, _NPHASE, phase, 0)
    out_copy(_NPHASE - 1, _BATCH_PER_W - 2, (_BATCH_PER_W - 2) % _NSLOT).wait()
    out_copy(_NPHASE - 1, _BATCH_PER_W - 1, (_BATCH_PER_W - 1) % _NSLOT).wait()


def kernel(encoded_patches, pos_table):
    B, P, D = encoded_patches.shape
    xt = jnp.swapaxes(encoded_patches, 1, 2)
    x2d = xt.reshape(B * D, P)
    t2d = pos_table.T

    mesh = plsc.VectorSubcoreMesh(core_axis_name="c", subcore_axis_name="s")
    run = functools.partial(
        pl.kernel,
        mesh=mesh,
        out_type=jax.ShapeDtypeStruct((B * D, P), jnp.float32),
        scratch_types=[
            pltpu.VMEM((2, _CHUNK, _P), jnp.float32),
            pltpu.VMEM((_NSLOT, _CHUNK, _P), jnp.float32),
            pltpu.SemaphoreType.DMA((2,)),
            pltpu.SemaphoreType.DMA((_NSLOT,)),
            pltpu.SemaphoreType.DMA((_NSLOT,)),
        ],
    )(_sc_kernel)
    out2d = run(x2d, t2d)
    return jnp.swapaxes(out2d.reshape(B, D, P), 1, 2)

# --- scband reference (transcript-rebuilt; emitter-appended) ---
"""Pipeline reference for scband-patch-encoder-34823594836330 (READ-ONLY COPY).

The authoritative reference and input builder live on the scoring server;
editing this copy changes nothing except your own understanding.
"""

import jax, jax.numpy as jnp
import numpy as np

NUM_PATCHES = 1024
PROJECTION_DIM = 96
BATCH = 256


def setup_inputs(seed: int = 0) -> dict:
    key = jax.random.key(seed)
    k1, k2 = jax.random.split(key)
    encoded_patches = jax.random.normal(k1, (BATCH, NUM_PATCHES, PROJECTION_DIM), dtype=jnp.float32)
    # learned position-embedding table (keras Embedding default: random_uniform(-0.05, 0.05))
    pos_table = jax.random.uniform(k2, (NUM_PATCHES, PROJECTION_DIM), dtype=jnp.float32, minval=-0.05, maxval=0.05)
    return {"encoded_patches": encoded_patches, "pos_table": pos_table}


def reference(encoded_patches, pos_table):
    positions = jnp.arange(0, NUM_PATCHES, 1)
    encoded_positions = jnp.take(pos_table, positions, axis=0)  # embedding lookup
    return encoded_patches + encoded_positions  # broadcast over batch

if __name__ == "__main__":
    import jax
    _d = setup_inputs()
    print(jax.jit(kernel)(*tuple(_d.values())))

</pallas_src>

<mosaic_0001>
#map = affine_map<(d0, d1) -> (0, 0)>
module attributes {stable_mosaic.version = 14 : i64} {
  func.func @_sc_kernel(%arg0: i32, %arg1: i32, %arg2: memref<24576x1024xf32, #tpu.memory_space<hbm>>, %arg3: memref<96x1024xf32, #tpu.memory_space<hbm>>, %arg4: memref<24576x1024xf32, #tpu.memory_space<hbm>>, %arg5: memref<2x16x1024xf32, #tpu.memory_space<vmem>>, %arg6: memref<4x16x1024xf32, #tpu.memory_space<vmem>>, %arg7: memref<2x!tpu.dma_semaphore, #tpu.memory_space<semaphore_mem>>, %arg8: memref<4x!tpu.dma_semaphore, #tpu.memory_space<semaphore_mem>>, %arg9: memref<4x!tpu.dma_semaphore, #tpu.memory_space<semaphore_mem>>) attributes {dimension_semantics = [#tpu.dimension_semantics<core_parallel>, #tpu.dimension_semantics<subcore_parallel>], iteration_bounds = array<i64: 2, 16>, scalar_prefetch = 0 : i64, scratch_operands = 5 : i64, tpu.core_type = #tpu.core_type<sc_vector_subcore>, window_params = [{transform_indices = #map}, {transform_indices = #map}, {transform_indices = #map}]} {
    %mul3A = arith.constant 2 : i32
    %mul3A_0 = arith.muli %arg1, %mul3A : i32
    %add3A = arith.addi %mul3A_0, %arg0 : i32
    %mul3A_1 = arith.constant 8 : i32
    %mul3A_2 = arith.muli %add3A, %mul3A_1 : i32
    %mul3A_3 = arith.constant 96 : i32
    %mul3A_4 = arith.muli %mul3A_2, %mul3A_3 : i32
    %dma_start3A = arith.constant 0 : i32
    %dma_start3A_5 = arith.constant 0 : i32
    %dma_start3A_6 = arith.constant 0 : i32
    %dma_start3A_7 = arith.constant 0 : i32
    %dma_start3A_8 = tpu.memref_slice %arg5[%dma_start3A, %dma_start3A_6, %dma_start3A_7] : memref<2x16x1024xf32, #tpu.memory_space<vmem>> -> memref<1x16x1024xf32, #tpu.memory_space<vmem>>
    %dma_start3A_9 = tpu.memref_squeeze %dma_start3A_8 : memref<1x16x1024xf32, #tpu.memory_space<vmem>> -> memref<16x1024xf32, #tpu.memory_space<vmem>>
    %dma_start3A_10 = arith.constant 0 : i32
    %dma_start3A_11 = arith.constant 0 : i32
    %dma_start3A_12 = tpu.memref_slice %arg3[%dma_start3A_10, %dma_start3A_11] : memref<96x1024xf32, #tpu.memory_space<hbm>> -> memref<16x1024xf32, #tpu.memory_space<hbm>>
    %dma_start3A_13 = tpu.memref_slice %arg7[%dma_start3A_5] : memref<2x!tpu.dma_semaphore, #tpu.memory_space<semaphore_mem>> -> memref<1x!tpu.dma_semaphore, #tpu.memory_space<semaphore_mem>>
    %dma_start3A_14 = tpu.memref_squeeze %dma_start3A_13 : memref<1x!tpu.dma_semaphore, #tpu.memory_space<semaphore_mem>> -> memref<!tpu.dma_semaphore, #tpu.memory_space<semaphore_mem>>
    %dma_start3A_15 = arith.constant 0 : i32
    %dma_start3A_16 = arith.constant 0 : i32
    %dma_start3A_17 = tpu.memref_slice %arg5[%dma_start3A, %dma_start3A_15, %dma_start3A_16] : memref<2x16x1024xf32, #tpu.memory_space<vmem>> -> memref<1x16x1024xf32, #tpu.memory_space<vmem>>
    %dma_start3A_18 = tpu.memref_squeeze %dma_start3A_17 : memref<1x16x1024xf32, #tpu.memory_space<vmem>> -> memref<16x1024xf32, #tpu.memory_space<vmem>>
    %dma_start3A_19 = arith.constant 0 : i32
    %dma_start3A_20 = arith.constant 0 : i32
    %dma_start3A_21 = tpu.memref_slice %arg3[%dma_start3A_19, %dma_start3A_20] : memref<96x1024xf32, #tpu.memory_space<hbm>> -> memref<16x1024xf32, #tpu.memory_space<hbm>>
    tpu.enqueue_dma source(%dma_start3A_21 : memref<16x1024xf32, #tpu.memory_space<hbm>>) target(%dma_start3A_18 : memref<16x1024xf32, #tpu.memory_space<vmem>>) target_semaphore(%dma_start3A_14 : memref<!tpu.dma_semaphore, #tpu.memory_space<semaphore_mem>>)
    %dma_start3A_22 = arith.constant 1 : i32
    %dma_start3A_23 = arith.constant 1 : i32
    %dma_start3A_24 = arith.constant 0 : i32
    %dma_start3A_25 = arith.constant 0 : i32
    %dma_start3A_26 = tpu.memref_slice %arg5[%dma_start3A_22, %dma_start3A_24, %dma_start3A_25] : memref<2x16x1024xf32, #tpu.memory_space<vmem>> -> memref<1x16x1024xf32, #tpu.memory_space<vmem>>
    %dma_start3A_27 = tpu.memref_squeeze %dma_start3A_26 : memref<1x16x1024xf32, #tpu.memory_space<vmem>> -> memref<16x1024xf32, #tpu.memory_space<vmem>>
    %dma_start3A_28 = arith.constant 16 : i32
    %dma_start3A_29 = arith.constant 0 : i32
    %dma_start3A_30 = tpu.memref_slice %arg3[%dma_start3A_28, %dma_start3A_29] : memref<96x1024xf32, #tpu.memory_space<hbm>> -> memref<16x1024xf32, #tpu.memory_space<hbm>>
    %dma_start3A_31 = tpu.memref_slice %arg7[%dma_start3A_23] : memref<2x!tpu.dma_semaphore, #tpu.memory_space<semaphore_mem>> -> memref<1x!tpu.dma_semaphore, #tpu.memory_space<semaphore_mem>>
    %dma_start3A_32 = tpu.memref_squeeze %dma_start3A_31 : memref<1x!tpu.dma_semaphore, #tpu.memory_space<semaphore_mem>> -> memref<!tpu.dma_semaphore, #tpu.memory_space<semaphore_mem>>
    %dma_start3A_33 = arith.constant 0 : i32
    %dma_start3A_34 = arith.constant 0 : i32
    %dma_start3A_35 = tpu.memref_slice %arg5[%dma_start3A_22, %dma_start3A_33, %dma_start3A_34] : memref<2x16x1024xf32, #tpu.memory_space<vmem>> -> memref<1x16x1024xf32, #tpu.memory_space<vmem>>
    %dma_start3A_36 = tpu.memref_squeeze %dma_start3A_35 : memref<1x16x1024xf32, #tpu.memory_space<vmem>> -> memref<16x1024xf32, #tpu.memory_space<vmem>>
    %dma_start3A_37 = arith.constant 16 : i32
    %dma_start3A_38 = arith.constant 0 : i32
    %dma_start3A_39 = tpu.memref_slice %arg3[%dma_start3A_37, %dma_start3A_38] : memref<96x1024xf32, #tpu.memory_space<hbm>> -> memref<16x1024xf32, #tpu.memory_space<hbm>>
    tpu.enqueue_dma source(%dma_start3A_39 : memref<16x1024xf32, #tpu.memory_space<hbm>>) target(%dma_start3A_36 : memref<16x1024xf32, #tpu.memory_space<vmem>>) target_semaphore(%dma_start3A_32 : memref<!tpu.dma_semaphore, #tpu.memory_space<semaphore_mem>>)
    %add3A_40 = arith.constant 0 : i32
    %add3A_41 = arith.addi %mul3A_4, %add3A_40 : i32
    %add3A_42 = arith.constant 0 : i32
    %add3A_43 = arith.addi %add3A_41, %add3A_42 : i32
    %dma_start3A_44 = arith.constant 0 : i32
    %dma_start3A_45 = arith.constant 0 : i32
    %dma_start3A_46 = arith.constant 0 : i32
    %dma_start3A_47 = arith.constant 0 : i32
    %dma_start3A_48 = tpu.memref_slice %arg6[%dma_start3A_44, %dma_start3A_46, %dma_start3A_47] : memref<4x16x1024xf32, #tpu.memory_space<vmem>> -> memref<1x16x1024xf32, #tpu.memory_space<vmem>>
    %dma_start3A_49 = tpu.memref_squeeze %dma_start3A_48 : memref<1x16x1024xf32, #tpu.memory_space<vmem>> -> memref<16x1024xf32, #tpu.memory_space<vmem>>
    %dma_start3A_50 = arith.constant 0 : i32
    %dma_start3A_51 = tpu.memref_slice %arg2[%add3A_43, %dma_start3A_50] : memref<24576x1024xf32, #tpu.memory_space<hbm>> -> memref<16x1024xf32, #tpu.memory_space<hbm>>
    %dma_start3A_52 = tpu.memref_slice %arg8[%dma_start3A_45] : memref<4x!tpu.dma_semaphore, #tpu.memory_space<semaphore_mem>> -> memref<1x!tpu.dma_semaphore, #tpu.memory_space<semaphore_mem>>
    %dma_start3A_53 = tpu.memref_squeeze %dma_start3A_52 : memref<1x!tpu.dma_semaphore, #tpu.memory_space<semaphore_mem>> -> memref<!tpu.dma_semaphore, #tpu.memory_space<semaphore_mem>>
    %dma_start3A_54 = arith.constant 0 : i32
    %dma_start3A_55 = arith.constant 0 : i32
    %dma_start3A_56 = tpu.memref_slice %arg6[%dma_start3A_44, %dma_start3A_54, %dma_start3A_55] : memref<4x16x1024xf32, #tpu.memory_space<vmem>> -> memref<1x16x1024xf32, #tpu.memory_space<vmem>>
    %dma_start3A_57 = tpu.memref_squeeze %dma_start3A_56 : memref<1x16x1024xf32, #tpu.memory_space<vmem>> -> memref<16x1024xf32, #tpu.memory_space<vmem>>
    %dma_start3A_58 = arith.constant 0 : i32
    %dma_start3A_59 = tpu.memref_slice %arg2[%add3A_43, %dma_start3A_58] : memref<24576x1024xf32, #tpu.memory_space<hbm>> -> memref<16x1024xf32, #tpu.memory_space<hbm>>
    tpu.enqueue_dma source(%dma_start3A_59 : memref<16x1024xf32, #tpu.memory_space<hbm>>) target(%dma_start3A_57 : memref<16x1024xf32, #tpu.memory_space<vmem>>) target_semaphore(%dma_start3A_53 : memref<!tpu.dma_semaphore, #tpu.memory_space<semaphore_mem>>)
    %add3A_60 = arith.constant 96 : i32
    %add3A_61 = arith.addi %mul3A_4, %add3A_60 : i32
    %add3A_62 = arith.constant 0 : i32
    %add3A_63 = arith.addi %add3A_61, %add3A_62 : i32
    %dma_start3A_64 = arith.constant 1 : i32
    %dma_start3A_65 = arith.constant 1 : i32
    %dma_start3A_66 = arith.constant 0 : i32
    %dma_start3A_67 = arith.constant 0 : i32
    %dma_start3A_68 = tpu.memref_slice %arg6[%dma_start3A_64, %dma_start3A_66, %dma_start3A_67] : memref<4x16x1024xf32, #tpu.memory_space<vmem>> -> memref<1x16x1024xf32, #tpu.memory_space<vmem>>
    %dma_start3A_69 = tpu.memref_squeeze %dma_start3A_68 : memref<1x16x1024xf32, #tpu.memory_space<vmem>> -> memref<16x1024xf32, #tpu.memory_space<vmem>>
    %dma_start3A_70 = arith.constant 0 : i32
    %dma_start3A_71 = tpu.memref_slice %arg2[%add3A_63, %dma_start3A_70] : memref<24576x1024xf32, #tpu.memory_space<hbm>> -> memref<16x1024xf32, #tpu.memory_space<hbm>>
    %dma_start3A_72 = tpu.memref_slice %arg8[%dma_start3A_65] : memref<4x!tpu.dma_semaphore, #tpu.memory_space<semaphore_mem>> -> memref<1x!tpu.dma_semaphore, #tpu.memory_space<semaphore_mem>>
    %dma_start3A_73 = tpu.memref_squeeze %dma_start3A_72 : memref<1x!tpu.dma_semaphore, #tpu.memory_space<semaphore_mem>> -> memref<!tpu.dma_semaphore, #tpu.memory_space<semaphore_mem>>
    %dma_start3A_74 = arith.constant 0 : i32
    %dma_start3A_75 = arith.constant 0 : i32
    %dma_start3A_76 = tpu.memref_slice %arg6[%dma_start3A_64, %dma_start3A_74, %dma_start3A_75] : memref<4x16x1024xf32, #tpu.memory_space<vmem>> -> memref<1x16x1024xf32, #tpu.memory_space<vmem>>
    %dma_start3A_77 = tpu.memref_squeeze %dma_start3A_76 : memref<1x16x1024xf32, #tpu.memory_space<vmem>> -> memref<16x1024xf32, #tpu.memory_space<vmem>>
    %dma_start3A_78 = arith.constant 0 : i32
    %dma_start3A_79 = tpu.memref_slice %arg2[%add3A_63, %dma_start3A_78] : memref<24576x1024xf32, #tpu.memory_space<hbm>> -> memref<16x1024xf32, #tpu.memory_space<hbm>>
    tpu.enqueue_dma source(%dma_start3A_79 : memref<16x1024xf32, #tpu.memory_space<hbm>>) target(%dma_start3A_77 : memref<16x1024xf32, #tpu.memory_space<vmem>>) target_semaphore(%dma_start3A_73 : memref<!tpu.dma_semaphore, #tpu.memory_space<semaphore_mem>>)
    %scan3A = arith.constant 0 : i32
    %scan3A_80 = arith.constant 0 : i32
    %scan3A_81 = arith.constant 6 : i32
    %scan3A_82 = arith.addi %scan3A_80, %scan3A_81 : i32
    %scan3A_83 = arith.constant 1 : i32
    scf.for %scan3A_124 = %scan3A_80 to %scan3A_82 step %scan3A_83  : i32 {
      %rem3A = arith.constant 2 : i32
      %rem3A_125 = arith.remsi %scan3A_124, %rem3A : i32
      %add3A_126 = arith.constant 0 : i32
      %add3A_127 = arith.addi %mul3A_4, %add3A_126 : i32
      %mul3A_128 = arith.constant 16 : i32
      %mul3A_129 = arith.muli %scan3A_124, %mul3A_128 : i32
      %add3A_130 = arith.addi %add3A_127, %mul3A_129 : i32
      %dma_wait3A_131 = arith.constant 0 : i32
      %dma_wait3A_132 = arith.constant 0 : i32
      %dma_wait3A_133 = arith.constant 0 : i32
      %dma_wait3A_134 = arith.constant 0 : i32
      %dma_wait3A_135 = tpu.memref_slice %arg6[%dma_wait3A_131, %dma_wait3A_133, %dma_wait3A_134] : memref<4x16x1024xf32, #tpu.memory_space<vmem>> -> memref<1x16x1024xf32, #tpu.memory_space<vmem>>
      %dma_wait3A_136 = tpu.memref_squeeze %dma_wait3A_135 : memref<1x16x1024xf32, #tpu.memory_space<vmem>> -> memref<16x1024xf32, #tpu.memory_space<vmem>>
      %dma_wait3A_137 = arith.constant 0 : i32
      %dma_wait3A_138 = tpu.memref_slice %arg2[%add3A_130, %dma_wait3A_137] : memref<24576x1024xf32, #tpu.memory_space<hbm>> -> memref<16x1024xf32, #tpu.memory_space<hbm>>
      %dma_wait3A_139 = tpu.memref_slice %arg8[%dma_wait3A_132] : memref<4x!tpu.dma_semaphore, #tpu.memory_space<semaphore_mem>> -> memref<1x!tpu.dma_semaphore, #tpu.memory_space<semaphore_mem>>
      %dma_wait3A_140 = tpu.memref_squeeze %dma_wait3A_139 : memref<1x!tpu.dma_semaphore, #tpu.memory_space<semaphore_mem>> -> memref<!tpu.dma_semaphore, #tpu.memory_space<semaphore_mem>>
      %dma_wait3A_141 = arith.constant 0 : i32
      %dma_wait3A_142 = arith.constant 0 : i32
      %dma_wait3A_143 = tpu.memref_slice %arg6[%dma_wait3A_131, %dma_wait3A_141, %dma_wait3A_142] : memref<4x16x1024xf32, #tpu.memory_space<vmem>> -> memref<1x16x1024xf32, #tpu.memory_space<vmem>>
      %dma_wait3A_144 = tpu.memref_squeeze %dma_wait3A_143 : memref<1x16x1024xf32, #tpu.memory_space<vmem>> -> memref<16x1024xf32, #tpu.memory_space<vmem>>
      %dma_wait3A_145 = arith.constant 0 : i32
      %dma_wait3A_146 = tpu.memref_slice %arg2[%add3A_130, %dma_wait3A_145] : memref<24576x1024xf32, #tpu.memory_space<hbm>> -> memref<16x1024xf32, #tpu.memory_space<hbm>>
      tpu.wait_dma2 semaphore(%dma_wait3A_140 : memref<!tpu.dma_semaphore, #tpu.memory_space<semaphore_mem>>) src(%dma_wait3A_146 : memref<16x1024xf32, #tpu.memory_space<hbm>>) dst(%dma_wait3A_144 : memref<16x1024xf32, #tpu.memory_space<vmem>>)
      %mul3A_147 = arith.constant 16 : i32
      %mul3A_148 = arith.muli %scan3A_124, %mul3A_147 : i32
      %dma_wait3A_149 = arith.constant 0 : i32
      %dma_wait3A_150 = arith.constant 0 : i32
      %dma_wait3A_151 = tpu.memref_slice %arg5[%rem3A_125, %dma_wait3A_149, %dma_wait3A_150] : memref<2x16x1024xf32, #tpu.memory_space<vmem>> -> memref<1x16x1024xf32, #tpu.memory_space<vmem>>
      %dma_wait3A_152 = tpu.memref_squeeze %dma_wait3A_151 : memref<1x16x1024xf32, #tpu.memory_space<vmem>> -> memref<16x1024xf32, #tpu.memory_space<vmem>>
      %dma_wait3A_153 = arith.constant 0 : i32
      %dma_wait3A_154 = tpu.memref_slice %arg3[%mul3A_148, %dma_wait3A_153] : memref<96x1024xf32, #tpu.memory_space<hbm>> -> memref<16x1024xf32, #tpu.memory_space<hbm>>
      %dma_wait3A_155 = tpu.memref_slice %arg7[%rem3A_125] : memref<2x!tpu.dma_semaphore, #tpu.memory_space<semaphore_mem>> -> memref<1x!tpu.dma_semaphore, #tpu.memory_space<semaphore_mem>>
      %dma_wait3A_156 = tpu.memref_squeeze %dma_wait3A_155 : memref<1x!tpu.dma_semaphore, #tpu.memory_space<semaphore_mem>> -> memref<!tpu.dma_semaphore, #tpu.memory_space<semaphore_mem>>
      %dma_wait3A_157 = arith.constant 0 : i32
      %dma_wait3A_158 = arith.constant 0 : i32
      %dma_wait3A_159 = tpu.memref_slice %arg5[%rem3A_125, %dma_wait3A_157, %dma_wait3A_158] : memref<2x16x1024xf32, #tpu.memory_space<vmem>> -> memref<1x16x1024xf32, #tpu.memory_space<vmem>>
      %dma_wait3A_160 = tpu.memref_squeeze %dma_wait3A_159 : memref<1x16x1024xf32, #tpu.memory_space<vmem>> -> memref<16x1024xf32, #tpu.memory_space<vmem>>
      %dma_wait3A_161 = arith.constant 0 : i32
      %dma_wait3A_162 = tpu.memref_slice %arg3[%mul3A_148, %dma_wait3A_161] : memref<96x1024xf32, #tpu.memory_space<hbm>> -> memref<16x1024xf32, #tpu.memory_space<hbm>>
      tpu.wait_dma2 semaphore(%dma_wait3A_156 : memref<!tpu.dma_semaphore, #tpu.memory_space<semaphore_mem>>) src(%dma_wait3A_162 : memref<16x1024xf32, #tpu.memory_space<hbm>>) dst(%dma_wait3A_160 : memref<16x1024xf32, #tpu.memory_space<vmem>>)
      %parallel_loop3A = arith.constant 0 : i32
      %parallel_loop3A_163 = arith.constant 1024 : i32
      %parallel_loop3A_164 = arith.constant 1 : i32
      scf.for %parallel_loop3A_741 = %parallel_loop3A to %parallel_loop3A_163 step %parallel_loop3A_164  : i32 {
        %parallel_loop3A_742 = arith.constant 64 : i32
        %parallel_loop3A_743 = arith.divsi %parallel_loop3A_741, %parallel_loop3A_742 : i32
        %parallel_loop3A_744 = arith.constant 0 : i32
        %parallel_loop3A_745 = arith.cmpi sgt, %parallel_loop3A_741, %parallel_loop3A_744 : i32
        %parallel_loop3A_746 = arith.extui %parallel_loop3A_745 : i1 to i32
        %parallel_loop3A_747 = arith.constant 0 : i32
        %parallel_loop3A_748 = arith.cmpi slt, %parallel_loop3A_741, %parallel_loop3A_747 : i32
        %parallel_loop3A_749 = arith.extui %parallel_loop3A_748 : i1 to i32
        %parallel_loop3A_750 = arith.subi %parallel_loop3A_746, %parallel_loop3A_749 : i32
        %parallel_loop3A_751 = arith.constant 0 : i32
        %parallel_loop3A_752 = arith.cmpi sgt, %parallel_loop3A_742, %parallel_loop3A_751 : i32
        %parallel_loop3A_753 = arith.extui %parallel_loop3A_752 : i1 to i32
        %parallel_loop3A_754 = arith.constant 0 : i32
        %parallel_loop3A_755 = arith.cmpi slt, %parallel_loop3A_742, %parallel_loop3A_754 : i32
        %parallel_loop3A_756 = arith.extui %parallel_loop3A_755 : i1 to i32
        %parallel_loop3A_757 = arith.subi %parallel_loop3A_753, %parallel_loop3A_756 : i32
        %parallel_loop3A_758 = arith.cmpi ne, %parallel_loop3A_750, %parallel_loop3A_757 : i32
        %parallel_loop3A_759 = arith.remsi %parallel_loop3A_741, %parallel_loop3A_742 : i32
        %parallel_loop3A_760 = arith.constant 0 : i32
        %parallel_loop3A_761 = arith.cmpi ne, %parallel_loop3A_759, %parallel_loop3A_760 : i32
        %parallel_loop3A_762 = arith.andi %parallel_loop3A_758, %parallel_loop3A_761 : i1
        %parallel_loop3A_763 = arith.constant 1 : i32
        %parallel_loop3A_764 = arith.subi %parallel_loop3A_743, %parallel_loop3A_763 : i32
        %parallel_loop3A_765 = arith.select %parallel_loop3A_762, %parallel_loop3A_764, %parallel_loop3A_743 : i32
        %parallel_loop3A_766 = arith.constant 64 : i32
        %parallel_loop3A_767 = arith.constant 0 : i32
        %parallel_loop3A_768 = arith.cmpi eq, %parallel_loop3A_766, %parallel_loop3A_767 : i32
        %parallel_loop3A_769 = arith.constant 1 : i32
        %parallel_loop3A_770 = arith.select %parallel_loop3A_768, %parallel_loop3A_769, %parallel_loop3A_766 : i32
        %parallel_loop3A_771 = arith.remsi %parallel_loop3A_741, %parallel_loop3A_770 : i32
        %parallel_loop3A_772 = arith.constant 0 : i32
        %parallel_loop3A_773 = arith.cmpi ne, %parallel_loop3A_771, %parallel_loop3A_772 : i32
        %parallel_loop3A_774 = arith.constant 0 : i32
        %parallel_loop3A_775 = arith.cmpi slt, %parallel_loop3A_771, %parallel_loop3A_774 : i32
        %parallel_loop3A_776 = arith.constant 0 : i32
        %parallel_loop3A_777 = arith.cmpi slt, %parallel_loop3A_770, %parallel_loop3A_776 : i32
        %parallel_loop3A_778 = arith.xori %parallel_loop3A_775, %parallel_loop3A_777 : i1
        %parallel_loop3A_779 = arith.andi %parallel_loop3A_778, %parallel_loop3A_773 : i1
        %parallel_loop3A_780 = arith.addi %parallel_loop3A_771, %parallel_loop3A_770 : i32
        %parallel_loop3A_781 = arith.select %parallel_loop3A_779, %parallel_loop3A_780, %parallel_loop3A_771 : i32
        %parallel_loop3A_782 = arith.constant 16 : i32
        %parallel_loop3A_783 = arith.muli %parallel_loop3A_781, %parallel_loop3A_782 : i32
        %parallel_loop3A_784 = arith.constant 0 : i32
        %parallel_loop3A_785 = arith.index_cast %parallel_loop3A_784 : i32 to index
        %parallel_loop3A_786 = arith.index_cast %parallel_loop3A_765 : i32 to index
        %parallel_loop3A_787 = arith.index_cast %parallel_loop3A_783 : i32 to index
        %parallel_loop3A_788 = tpu.vector_load %arg6[%parallel_loop3A_785, %parallel_loop3A_786, %parallel_loop3A_787] {strides = array<i32>} : memref<4x16x1024xf32, #tpu.memory_space<vmem>>, vector<1x1x16xf32>,
        %parallel_loop3A_789 = vector.shape_cast %parallel_loop3A_788 : vector<1x1x16xf32> to vector<16xf32>
        %parallel_loop3A_790 = arith.index_cast %rem3A_125 : i32 to index
        %parallel_loop3A_791 = arith.index_cast %parallel_loop3A_765 : i32 to index
        %parallel_loop3A_792 = arith.index_cast %parallel_loop3A_783 : i32 to index
        %parallel_loop3A_793 = tpu.vector_load %arg5[%parallel_loop3A_790, %parallel_loop3A_791, %parallel_loop3A_792] {strides = array<i32>} : memref<2x16x1024xf32, #tpu.memory_space<vmem>>, vector<1x1x16xf32>,
        %parallel_loop3A_794 = vector.shape_cast %parallel_loop3A_793 : vector<1x1x16xf32> to vector<16xf32>
        %parallel_loop3A_795 = arith.addf %parallel_loop3A_789, %parallel_loop3A_794 : vector<16xf32>
        %parallel_loop3A_796 = arith.constant 0 : i32
        %parallel_loop3A_797 = arith.index_cast %parallel_loop3A_796 : i32 to index
        %parallel_loop3A_798 = arith.index_cast %parallel_loop3A_765 : i32 to index
        %parallel_loop3A_799 = arith.index_cast %parallel_loop3A_783 : i32 to index
        %parallel_loop3A_800 = tpu.vector_load %arg6[%parallel_loop3A_797, %parallel_loop3A_798, %parallel_loop3A_799] {strides = array<i32>} : memref<4x16x1024xf32, #tpu.memory_space<vmem>>, vector<1x1x16xf32>,
        %parallel_loop3A_801 = vector.shape_cast %parallel_loop3A_800 : vector<1x1x16xf32> to vector<16xf32>
        %parallel_loop3A_802 = vector.shape_cast %parallel_loop3A_795 : vector<16xf32> to vector<1x1x16xf32>
        tpu.vector_store %arg6[%parallel_loop3A_797, %parallel_loop3A_798, %parallel_loop3A_799], %parallel_loop3A_802 {strides = array<i32>} : memref<4x16x1024xf32, #tpu.memory_space<vmem>>, vector<1x1x16xf32>,
      } {sc.loop_unroll_factor = 8 : i64, sc.parallel_access}
      %add3A_165 = arith.constant 0 : i32
      %add3A_166 = arith.addi %mul3A_4, %add3A_165 : i32
      %mul3A_167 = arith.constant 16 : i32
      %mul3A_168 = arith.muli %scan3A_124, %mul3A_167 : i32
      %add3A_169 = arith.addi %add3A_166, %mul3A_168 : i32
      %dma_start3A_170 = arith.constant 0 : i32
      %dma_start3A_171 = arith.constant 0 : i32
      %dma_start3A_172 = arith.constant 0 : i32
      %dma_start3A_173 = arith.constant 0 : i32
      %dma_start3A_174 = tpu.memref_slice %arg6[%dma_start3A_170, %dma_start3A_172, %dma_start3A_173] : memref<4x16x1024xf32, #tpu.memory_space<vmem>> -> memref<1x16x1024xf32, #tpu.memory_space<vmem>>
      %dma_start3A_175 = tpu.memref_squeeze %dma_start3A_174 : memref<1x16x1024xf32, #tpu.memory_space<vmem>> -> memref<16x1024xf32, #tpu.memory_space<vmem>>
      %dma_start3A_176 = arith.constant 0 : i32
      %dma_start3A_177 = tpu.memref_slice %arg4[%add3A_169, %dma_start3A_176] : memref<24576x1024xf32, #tpu.memory_space<hbm>> -> memref<16x1024xf32, #tpu.memory_space<hbm>>
      %dma_start3A_178 = tpu.memref_slice %arg9[%dma_start3A_171] : memref<4x!tpu.dma_semaphore, #tpu.memory_space<semaphore_mem>> -> memref<1x!tpu.dma_semaphore, #tpu.memory_space<semaphore_mem>>
      %dma_start3A_179 = tpu.memref_squeeze %dma_start3A_178 : memref<1x!tpu.dma_semaphore, #tpu.memory_space<semaphore_mem>> -> memref<!tpu.dma_semaphore, #tpu.memory_space<semaphore_mem>>
      %dma_start3A_180 = arith.constant 0 : i32
      %dma_start3A_181 = tpu.memref_slice %arg4[%add3A_169, %dma_start3A_180] : memref<24576x1024xf32, #tpu.memory_space<hbm>> -> memref<16x1024xf32, #tpu.memory_space<hbm>>
      %dma_start3A_182 = arith.constant 0 : i32
      %dma_start3A_183 = arith.constant 0 : i32
      %dma_start3A_184 = tpu.memref_slice %arg6[%dma_start3A_170, %dma_start3A_182, %dma_start3A_183] : memref<4x16x1024xf32, #tpu.memory_space<vmem>> -> memref<1x16x1024xf32, #tpu.memory_space<vmem>>
      %dma_start3A_185 = tpu.memref_squeeze %dma_start3A_184 : memref<1x16x1024xf32, #tpu.memory_space<vmem>> -> memref<16x1024xf32, #tpu.memory_space<vmem>>
      tpu.enqueue_dma source(%dma_start3A_185 : memref<16x1024xf32, #tpu.memory_space<vmem>>) target(%dma_start3A_181 : memref<16x1024xf32, #tpu.memory_space<hbm>>) target_semaphore(%dma_start3A_179 : memref<!tpu.dma_semaphore, #tpu.memory_space<semaphore_mem>>)
      %gt3A = arith.constant 0 : i32
      %gt3A_186 = arith.cmpi sgt, %scan3A_124, %gt3A : i32
      %convert_element_type3A = arith.extui %gt3A_186 : i1 to i32
      %cond3A = arith.constant 0 : i32
      %cond3A_187 = arith.cmpi ne, %convert_element_type3A, %cond3A : i32
      scf.if %cond3A_187 {
        %sub3A = arith.constant 1 : i32
        %sub3A_741 = arith.subi %scan3A_124, %sub3A : i32
        %add3A_742 = arith.constant 576 : i32
        %add3A_743 = arith.addi %mul3A_4, %add3A_742 : i32
        %mul3A_744 = arith.constant 16 : i32
        %mul3A_745 = arith.muli %sub3A_741, %mul3A_744 : i32
        %add3A_746 = arith.addi %add3A_743, %mul3A_745 : i32
        %dma_wait3A_747 = arith.constant 2 : i32
        %dma_wait3A_748 = arith.constant 2 : i32
        %dma_wait3A_749 = arith.constant 0 : i32
        %dma_wait3A_750 = arith.constant 0 : i32
        %dma_wait3A_751 = tpu.memref_slice %arg6[%dma_wait3A_747, %dma_wait3A_749, %dma_wait3A_750] : memref<4x16x1024xf32, #tpu.memory_space<vmem>> -> memref<1x16x1024xf32, #tpu.memory_space<vmem>>
        %dma_wait3A_752 = tpu.memref_squeeze %dma_wait3A_751 : memref<1x16x1024xf32, #tpu.memory_space<vmem>> -> memref<16x1024xf32, #tpu.memory_space<vmem>>
        %dma_wait3A_753 = arith.constant 0 : i32
        %dma_wait3A_754 = tpu.memref_slice %arg4[%add3A_746, %dma_wait3A_753] : memref<24576x1024xf32, #tpu.memory_space<hbm>> -> memref<16x1024xf32, #tpu.memory_space<hbm>>
        %dma_wait3A_755 = tpu.memref_slice %arg9[%dma_wait3A_748] : memref<4x!tpu.dma_semaphore, #tpu.memory_space<semaphore_mem>> -> memref<1x!tpu.dma_semaphore, #tpu.memory_space<semaphore_mem>>
        %dma_wait3A_756 = tpu.memref_squeeze %dma_wait3A_755 : memref<1x!tpu.dma_semaphore, #tpu.memory_space<semaphore_mem>> -> memref<!tpu.dma_semaphore, #tpu.memory_space<semaphore_mem>>
        %dma_wait3A_757 = arith.constant 0 : i32
        %dma_wait3A_758 = tpu.memref_slice %arg4[%add3A_746, %dma_wait3A_757] : memref<24576x1024xf32, #tpu.memory_space<hbm>> -> memref<16x1024xf32, #tpu.memory_space<hbm>>
        %dma_wait3A_759 = arith.constant 0 : i32
        %dma_wait3A_760 = arith.constant 0 : i32
        %dma_wait3A_761 = tpu.memref_slice %arg6[%dma_wait3A_747, %dma_wait3A_759, %dma_wait3A_760] : memref<4x16x1024xf32, #tpu.memory_space<vmem>> -> memref<1x16x1024xf32, #tpu.memory_space<vmem>>
        %dma_wait3A_762 = tpu.memref_squeeze %dma_wait3A_761 : memref<1x16x1024xf32, #tpu.memory_space<vmem>> -> memref<16x1024xf32, #tpu.memory_space<vmem>>
        tpu.wait_dma2 semaphore(%dma_wait3A_756 : memref<!tpu.dma_semaphore, #tpu.memory_space<semaphore_mem>>) src(%dma_wait3A_762 : memref<16x1024xf32, #tpu.memory_space<vmem>>) dst(%dma_wait3A_758 : memref<16x1024xf32, #tpu.memory_space<hbm>>)
        %add3A_763 = arith.constant 192 : i32
        %add3A_764 = arith.addi %mul3A_4, %add3A_763 : i32
        %mul3A_765 = arith.constant 16 : i32
        %mul3A_766 = arith.muli %scan3A_124, %mul3A_765 : i32
        %add3A_767 = arith.addi %add3A_764, %mul3A_766 : i32
        %dma_start3A_768 = arith.constant 2 : i32
        %dma_start3A_769 = arith.constant 2 : i32
        %dma_start3A_770 = arith.constant 0 : i32
        %dma_start3A_771 = arith.constant 0 : i32
        %dma_start3A_772 = tpu.memref_slice %arg6[%dma_start3A_768, %dma_start3A_770, %dma_start3A_771] : memref<4x16x1024xf32, #tpu.memory_space<vmem>> -> memref<1x16x1024xf32, #tpu.memory_space<vmem>>
        %dma_start3A_773 = tpu.memref_squeeze %dma_start3A_772 : memref<1x16x1024xf32, #tpu.memory_space<vmem>> -> memref<16x1024xf32, #tpu.memory_space<vmem>>
        %dma_start3A_774 = arith.constant 0 : i32
        %dma_start3A_775 = tpu.memref_slice %arg2[%add3A_767, %dma_start3A_774] : memref<24576x1024xf32, #tpu.memory_space<hbm>> -> memref<16x1024xf32, #tpu.memory_space<hbm>>
        %dma_start3A_776 = tpu.memref_slice %arg8[%dma_start3A_769] : memref<4x!tpu.dma_semaphore, #tpu.memory_space<semaphore_mem>> -> memref<1x!tpu.dma_semaphore, #tpu.memory_space<semaphore_mem>>
        %dma_start3A_777 = tpu.memref_squeeze %dma_start3A_776 : memref<1x!tpu.dma_semaphore, #tpu.memory_space<semaphore_mem>> -> memref<!tpu.dma_semaphore, #tpu.memory_space<semaphore_mem>>
        %dma_start3A_778 = arith.constant 0 : i32
        %dma_start3A_779 = arith.constant 0 : i32
        %dma_start3A_780 = tpu.memref_slice %arg6[%dma_start3A_768, %dma_start3A_778, %dma_start3A_779] : memref<4x16x1024xf32, #tpu.memory_space<vmem>> -> memref<1x16x1024xf32, #tpu.memory_space<vmem>>
        %dma_start3A_781 = tpu.memref_squeeze %dma_start3A_780 : memref<1x16x1024xf32, #tpu.memory_space<vmem>> -> memref<16x1024xf32, #tpu.memory_space<vmem>>
        %dma_start3A_782 = arith.constant 0 : i32
        %dma_start3A_783 = tpu.memref_slice %arg2[%add3A_767, %dma_start3A_782] : memref<24576x1024xf32, #tpu.memory_space<hbm>> -> memref<16x1024xf32, #tpu.memory_space<hbm>>
        tpu.enqueue_dma source(%dma_start3A_783 : memref<16x1024xf32, #tpu.memory_space<hbm>>) target(%dma_start3A_781 : memref<16x1024xf32, #tpu.memory_space<vmem>>) target_semaphore(%dma_start3A_777 : memref<!tpu.dma_semaphore, #tpu.memory_space<semaphore_mem>>)
      } else {
      }
      %eq3A = arith.constant 0 : i32
      %eq3A_188 = arith.cmpi eq, %scan3A_124, %eq3A : i32
      %convert_element_type3A_189 = arith.extui %eq3A_188 : i1 to i32
      %cond3A_190 = arith.constant 0 : i32
      %cond3A_191 = arith.cmpi ne, %convert_element_type3A_189, %cond3A_190 : i32
      scf.if %cond3A_191 {
        %add3A_741 = arith.constant 192 : i32
        %add3A_742 = arith.addi %mul3A_4, %add3A_741 : i32
        %mul3A_743 = arith.constant 16 : i32
        %mul3A_744 = arith.muli %scan3A_124, %mul3A_743 : i32
        %add3A_745 = arith.addi %add3A_742, %mul3A_744 : i32
        %dma_start3A_746 = arith.constant 2 : i32
        %dma_start3A_747 = arith.constant 2 : i32
        %dma_start3A_748 = arith.constant 0 : i32
        %dma_start3A_749 = arith.constant 0 : i32
        %dma_start3A_750 = tpu.memref_slice %arg6[%dma_start3A_746, %dma_start3A_748, %dma_start3A_749] : memref<4x16x1024xf32, #tpu.memory_space<vmem>> -> memref<1x16x1024xf32, #tpu.memory_space<vmem>>
        %dma_start3A_751 = tpu.memref_squeeze %dma_start3A_750 : memref<1x16x1024xf32, #tpu.memory_space<vmem>> -> memref<16x1024xf32, #tpu.memory_space<vmem>>
        %dma_start3A_752 = arith.constant 0 : i32
        %dma_start3A_753 = tpu.memref_slice %arg2[%add3A_745, %dma_start3A_752] : memref<24576x1024xf32, #tpu.memory_space<hbm>> -> memref<16x1024xf32, #tpu.memory_space<hbm>>
        %dma_start3A_754 = tpu.memref_slice %arg8[%dma_start3A_747] : memref<4x!tpu.dma_semaphore, #tpu.memory_space<semaphore_mem>> -> memref<1x!tpu.dma_semaphore, #tpu.memory_space<semaphore_mem>>
        %dma_start3A_755 = tpu.memref_squeeze %dma_start3A_754 : memref<1x!tpu.dma_semaphore, #tpu.memory_space<semaphore_mem>> -> memref<!tpu.dma_semaphore, #tpu.memory_space<semaphore_mem>>
        %dma_start3A_756 = arith.constant 0 : i32
        %dma_start3A_757 = arith.constant 0 : i32
        %dma_start3A_758 = tpu.memref_slice %arg6[%dma_start3A_746, %dma_start3A_756, %dma_start3A_757] : memref<4x16x1024xf32, #tpu.memory_space<vmem>> -> memref<1x16x1024xf32, #tpu.memory_space<vmem>>
        %dma_start3A_759 = tpu.memref_squeeze %dma_start3A_758 : memref<1x16x1024xf32, #tpu.memory_space<vmem>> -> memref<16x1024xf32, #tpu.memory_space<vmem>>
        %dma_start3A_760 = arith.constant 0 : i32
        %dma_start3A_761 = tpu.memref_slice %arg2[%add3A_745, %dma_start3A_760] : memref<24576x1024xf32, #tpu.memory_space<hbm>> -> memref<16x1024xf32, #tpu.memory_space<hbm>>
        tpu.enqueue_dma source(%dma_start3A_761 : memref<16x1024xf32, #tpu.memory_space<hbm>>) target(%dma_start3A_759 : memref<16x1024xf32, #tpu.memory_space<vmem>>) target_semaphore(%dma_start3A_755 : memref<!tpu.dma_semaphore, #tpu.memory_space<semaphore_mem>>)
      } else {
      }
      %add3A_192 = arith.constant 96 : i32
      %add3A_193 = arith.addi %mul3A_4, %add3A_192 : i32
      %mul3A_194 = arith.constant 16 : i32
      %mul3A_195 = arith.muli %scan3A_124, %mul3A_194 : i32
      %add3A_196 = arith.addi %add3A_193, %mul3A_195 : i32
      %dma_wait3A_197 = arith.constant 1 : i32
      %dma_wait3A_198 = arith.constant 1 : i32
      %dma_wait3A_199 = arith.constant 0 : i32
      %dma_wait3A_200 = arith.constant 0 : i32
      %dma_wait3A_201 = tpu.memref_slice %arg6[%dma_wait3A_197, %dma_wait3A_199, %dma_wait3A_200] : memref<4x16x1024xf32, #tpu.memory_space<vmem>> -> memref<1x16x1024xf32, #tpu.memory_space<vmem>>
      %dma_wait3A_202 = tpu.memref_squeeze %dma_wait3A_201 : memref<1x16x1024xf32, #tpu.memory_space<vmem>> -> memref<16x1024xf32, #tpu.memory_space<vmem>>
      %dma_wait3A_203 = arith.constant 0 : i32
      %dma_wait3A_204 = tpu.memref_slice %arg2[%add3A_196, %dma_wait3A_203] : memref<24576x1024xf32, #tpu.memory_space<hbm>> -> memref<16x1024xf32, #tpu.memory_space<hbm>>
      %dma_wait3A_205 = tpu.memref_slice %arg8[%dma_wait3A_198] : memref<4x!tpu.dma_semaphore, #tpu.memory_space<semaphore_mem>> -> memref<1x!tpu.dma_semaphore, #tpu.memory_space<semaphore_mem>>
      %dma_wait3A_206 = tpu.memref_squeeze %dma_wait3A_205 : memref<1x!tpu.dma_semaphore, #tpu.memory_space<semaphore_mem>> -> memref<!tpu.dma_semaphore, #tpu.memory_space<semaphore_mem>>
      %dma_wait3A_207 = arith.constant 0 : i32
      %dma_wait3A_208 = arith.constant 0 : i32
      %dma_wait3A_209 = tpu.memref_slice %arg6[%dma_wait3A_197, %dma_wait3A_207, %dma_wait3A_208] : memref<4x16x1024xf32, #tpu.memory_space<vmem>> -> memref<1x16x1024xf32, #tpu.memory_space<vmem>>
      %dma_wait3A_210 = tpu.memref_squeeze %dma_wait3A_209 : memref<1x16x1024xf32, #tpu.memory_space<vmem>> -> memref<16x1024xf32, #tpu.memory_space<vmem>>
      %dma_wait3A_211 = arith.constant 0 : i32
      %dma_wait3A_212 = tpu.memref_slice %arg2[%add3A_196, %dma_wait3A_211] : memref<24576x1024xf32, #tpu.memory_space<hbm>> -> memref<16x1024xf32, #tpu.memory_space<hbm>>
      tpu.wait_dma2 semaphore(%dma_wait3A_206 : memref<!tpu.dma_semaphore, #tpu.memory_space<semaphore_mem>>) src(%dma_wait3A_212 : memref<16x1024xf32, #tpu.memory_space<hbm>>) dst(%dma_wait3A_210 : memref<16x1024xf32, #tpu.memory_space<vmem>>)
      %parallel_loop3A_213 = arith.constant 0 : i32
      %parallel_loop3A_214 = arith.constant 1024 : i32
      %parallel_loop3A_215 = arith.constant 1 : i32
      scf.for %parallel_loop3A_741 = %parallel_loop3A_213 to %parallel_loop3A_214 step %parallel_loop3A_215  : i32 {
        %parallel_loop3A_742 = arith.constant 64 : i32
        %parallel_loop3A_743 = arith.divsi %parallel_loop3A_741, %parallel_loop3A_742 : i32
        %parallel_loop3A_744 = arith.constant 0 : i32
        %parallel_loop3A_745 = arith.cmpi sgt, %parallel_loop3A_741, %parallel_loop3A_744 : i32
        %parallel_loop3A_746 = arith.extui %parallel_loop3A_745 : i1 to i32
        %parallel_loop3A_747 = arith.constant 0 : i32
        %parallel_loop3A_748 = arith.cmpi slt, %parallel_loop3A_741, %parallel_loop3A_747 : i32
        %parallel_loop3A_749 = arith.extui %parallel_loop3A_748 : i1 to i32
        %parallel_loop3A_750 = arith.subi %parallel_loop3A_746, %parallel_loop3A_749 : i32
        %parallel_loop3A_751 = arith.constant 0 : i32
        %parallel_loop3A_752 = arith.cmpi sgt, %parallel_loop3A_742, %parallel_loop3A_751 : i32
        %parallel_loop3A_753 = arith.extui %parallel_loop3A_752 : i1 to i32
        %parallel_loop3A_754 = arith.constant 0 : i32
        %parallel_loop3A_755 = arith.cmpi slt, %parallel_loop3A_742, %parallel_loop3A_754 : i32
        %parallel_loop3A_756 = arith.extui %parallel_loop3A_755 : i1 to i32
        %parallel_loop3A_757 = arith.subi %parallel_loop3A_753, %parallel_loop3A_756 : i32
        %parallel_loop3A_758 = arith.cmpi ne, %parallel_loop3A_750, %parallel_loop3A_757 : i32
        %parallel_loop3A_759 = arith.remsi %parallel_loop3A_741, %parallel_loop3A_742 : i32
        %parallel_loop3A_760 = arith.constant 0 : i32
        %parallel_loop3A_761 = arith.cmpi ne, %parallel_loop3A_759, %parallel_loop3A_760 : i32
        %parallel_loop3A_762 = arith.andi %parallel_loop3A_758, %parallel_loop3A_761 : i1
        %parallel_loop3A_763 = arith.constant 1 : i32
        %parallel_loop3A_764 = arith.subi %parallel_loop3A_743, %parallel_loop3A_763 : i32
        %parallel_loop3A_765 = arith.select %parallel_loop3A_762, %parallel_loop3A_764, %parallel_loop3A_743 : i32
        %parallel_loop3A_766 = arith.constant 64 : i32
        %parallel_loop3A_767 = arith.constant 0 : i32
        %parallel_loop3A_768 = arith.cmpi eq, %parallel_loop3A_766, %parallel_loop3A_767 : i32
        %parallel_loop3A_769 = arith.constant 1 : i32
        %parallel_loop3A_770 = arith.select %parallel_loop3A_768, %parallel_loop3A_769, %parallel_loop3A_766 : i32
        %parallel_loop3A_771 = arith.remsi %parallel_loop3A_741, %parallel_loop3A_770 : i32
        %parallel_loop3A_772 = arith.constant 0 : i32
        %parallel_loop3A_773 = arith.cmpi ne, %parallel_loop3A_771, %parallel_loop3A_772 : i32
        %parallel_loop3A_774 = arith.constant 0 : i32
        %parallel_loop3A_775 = arith.cmpi slt, %parallel_loop3A_771, %parallel_loop3A_774 : i32
        %parallel_loop3A_776 = arith.constant 0 : i32
        %parallel_loop3A_777 = arith.cmpi slt, %parallel_loop3A_770, %parallel_loop3A_776 : i32
        %parallel_loop3A_778 = arith.xori %parallel_loop3A_775, %parallel_loop3A_777 : i1
        %parallel_loop3A_779 = arith.andi %parallel_loop3A_778, %parallel_loop3A_773 : i1
        %parallel_loop3A_780 = arith.addi %parallel_loop3A_771, %parallel_loop3A_770 : i32
        %parallel_loop3A_781 = arith.select %parallel_loop3A_779, %parallel_loop3A_780, %parallel_loop3A_771 : i32
        %parallel_loop3A_782 = arith.constant 16 : i32
        %parallel_loop3A_783 = arith.muli %parallel_loop3A_781, %parallel_loop3A_782 : i32
        %parallel_loop3A_784 = arith.constant 1 : i32
        %parallel_loop3A_785 = arith.index_cast %parallel_loop3A_784 : i32 to index
        %parallel_loop3A_786 = arith.index_cast %parallel_loop3A_765 : i32 to index
        %parallel_loop3A_787 = arith.index_cast %parallel_loop3A_783 : i32 to index
        %parallel_loop3A_788 = tpu.vector_load %arg6[%parallel_loop3A_785, %parallel_loop3A_786, %parallel_loop3A_787] {strides = array<i32>} : memref<4x16x1024xf32, #tpu.memory_space<vmem>>, vector<1x1x16xf32>,
        %parallel_loop3A_789 = vector.shape_cast %parallel_loop3A_788 : vector<1x1x16xf32> to vector<16xf32>
        %parallel_loop3A_790 = arith.index_cast %rem3A_125 : i32 to index
        %parallel_loop3A_791 = arith.index_cast %parallel_loop3A_765 : i32 to index
        %parallel_loop3A_792 = arith.index_cast %parallel_loop3A_783 : i32 to index
        %parallel_loop3A_793 = tpu.vector_load %arg5[%parallel_loop3A_790, %parallel_loop3A_791, %parallel_loop3A_792] {strides = array<i32>} : memref<2x16x1024xf32, #tpu.memory_space<vmem>>, vector<1x1x16xf32>,
        %parallel_loop3A_794 = vector.shape_cast %parallel_loop3A_793 : vector<1x1x16xf32> to vector<16xf32>
        %parallel_loop3A_795 = arith.addf %parallel_loop3A_789, %parallel_loop3A_794 : vector<16xf32>
        %parallel_loop3A_796 = arith.constant 1 : i32
        %parallel_loop3A_797 = arith.index_cast %parallel_loop3A_796 : i32 to index
        %parallel_loop3A_798 = arith.index_cast %parallel_loop3A_765 : i32 to index
        %parallel_loop3A_799 = arith.index_cast %parallel_loop3A_783 : i32 to index
        %parallel_loop3A_800 = tpu.vector_load %arg6[%parallel_loop3A_797, %parallel_loop3A_798, %parallel_loop3A_799] {strides = array<i32>} : memref<4x16x1024xf32, #tpu.memory_space<vmem>>, vector<1x1x16xf32>,
        %parallel_loop3A_801 = vector.shape_cast %parallel_loop3A_800 : vector<1x1x16xf32> to vector<16xf32>
        %parallel_loop3A_802 = vector.shape_cast %parallel_loop3A_795 : vector<16xf32> to vector<1x1x16xf32>
        tpu.vector_store %arg6[%parallel_loop3A_797, %parallel_loop3A_798, %parallel_loop3A_799], %parallel_loop3A_802 {strides = array<i32>} : memref<4x16x1024xf32, #tpu.memory_space<vmem>>, vector<1x1x16xf32>,
      } {sc.loop_unroll_factor = 8 : i64, sc.parallel_access}
      %add3A_216 = arith.constant 96 : i32
      %add3A_217 = arith.addi %mul3A_4, %add3A_216 : i32
      %mul3A_218 = arith.constant 16 : i32
      %mul3A_219 = arith.muli %scan3A_124, %mul3A_218 : i32
      %add3A_220 = arith.addi %add3A_217, %mul3A_219 : i32
      %dma_start3A_221 = arith.constant 1 : i32
      %dma_start3A_222 = arith.constant 1 : i32
      %dma_start3A_223 = arith.constant 0 : i32
      %dma_start3A_224 = arith.constant 0 : i32
      %dma_start3A_225 = tpu.memref_slice %arg6[%dma_start3A_221, %dma_start3A_223, %dma_start3A_224] : memref<4x16x1024xf32, #tpu.memory_space<vmem>> -> memref<1x16x1024xf32, #tpu.memory_space<vmem>>
      %dma_start3A_226 = tpu.memref_squeeze %dma_start3A_225 : memref<1x16x1024xf32, #tpu.memory_space<vmem>> -> memref<16x1024xf32, #tpu.memory_space<vmem>>
      %dma_start3A_227 = arith.constant 0 : i32
      %dma_start3A_228 = tpu.memref_slice %arg4[%add3A_220, %dma_start3A_227] : memref<24576x1024xf32, #tpu.memory_space<hbm>> -> memref<16x1024xf32, #tpu.memory_space<hbm>>
      %dma_start3A_229 = tpu.memref_slice %arg9[%dma_start3A_222] : memref<4x!tpu.dma_semaphore, #tpu.memory_space<semaphore_mem>> -> memref<1x!tpu.dma_semaphore, #tpu.memory_space<semaphore_mem>>
      %dma_start3A_230 = tpu.memref_squeeze %dma_start3A_229 : memref<1x!tpu.dma_semaphore, #tpu.memory_space<semaphore_mem>> -> memref<!tpu.dma_semaphore, #tpu.memory_space<semaphore_mem>>
      %dma_start3A_231 = arith.constant 0 : i32
      %dma_start3A_232 = tpu.memref_slice %arg4[%add3A_220, %dma_start3A_231] : memref<24576x1024xf32, #tpu.memory_space<hbm>> -> memref<16x1024xf32, #tpu.memory_space<hbm>>
      %dma_start3A_233 = arith.constant 0 : i32
      %dma_start3A_234 = arith.constant 0 : i32
      %dma_start3A_235 = tpu.memref_slice %arg6[%dma_start3A_221, %dma_start3A_233, %dma_start3A_234] : memref<4x16x1024xf32, #tpu.memory_space<vmem>> -> memref<1x16x1024xf32, #tpu.memory_space<vmem>>
      %dma_start3A_236 = tpu.memref_squeeze %dma_start3A_235 : memref<1x16x1024xf32, #tpu.memory_space<vmem>> -> memref<16x1024xf32, #tpu.memory_space<vmem>>
      tpu.enqueue_dma source(%dma_start3A_236 : memref<16x1024xf32, #tpu.memory_space<vmem>>) target(%dma_start3A_232 : memref<16x1024xf32, #tpu.memory_space<hbm>>) target_semaphore(%dma_start3A_230 : memref<!tpu.dma_semaphore, #tpu.memory_space<semaphore_mem>>)
      %gt3A_237 = arith.constant 0 : i32
      %gt3A_238 = arith.cmpi sgt, %scan3A_124, %gt3A_237 : i32
      %convert_element_type3A_239 = arith.extui %gt3A_238 : i1 to i32
      %cond3A_240 = arith.constant 0 : i32
      %cond3A_241 = arith.cmpi ne, %convert_element_type3A_239, %cond3A_240 : i32
      scf.if %cond3A_241 {
        %sub3A = arith.constant 1 : i32
        %sub3A_741 = arith.subi %scan3A_124, %sub3A : i32
        %add3A_742 = arith.constant 672 : i32
        %add3A_743 = arith.addi %mul3A_4, %add3A_742 : i32
        %mul3A_744 = arith.constant 16 : i32
        %mul3A_745 = arith.muli %sub3A_741, %mul3A_744 : i32
        %add3A_746 = arith.addi %add3A_743, %mul3A_745 : i32
        %dma_wait3A_747 = arith.constant 3 : i32
        %dma_wait3A_748 = arith.constant 3 : i32
        %dma_wait3A_749 = arith.constant 0 : i32
        %dma_wait3A_750 = arith.constant 0 : i32
        %dma_wait3A_751 = tpu.memref_slice %arg6[%dma_wait3A_747, %dma_wait3A_749, %dma_wait3A_750] : memref<4x16x1024xf32, #tpu.memory_space<vmem>> -> memref<1x16x1024xf32, #tpu.memory_space<vmem>>
        %dma_wait3A_752 = tpu.memref_squeeze %dma_wait3A_751 : memref<1x16x1024xf32, #tpu.memory_space<vmem>> -> memref<16x1024xf32, #tpu.memory_space<vmem>>
        %dma_wait3A_753 = arith.constant 0 : i32
        %dma_wait3A_754 = tpu.memref_slice %arg4[%add3A_746, %dma_wait3A_753] : memref<24576x1024xf32, #tpu.memory_space<hbm>> -> memref<16x1024xf32, #tpu.memory_space<hbm>>
        %dma_wait3A_755 = tpu.memref_slice %arg9[%dma_wait3A_748] : memref<4x!tpu.dma_semaphore, #tpu.memory_space<semaphore_mem>> -> memref<1x!tpu.dma_semaphore, #tpu.memory_space<semaphore_mem>>
        %dma_wait3A_756 = tpu.memref_squeeze %dma_wait3A_755 : memref<1x!tpu.dma_semaphore, #tpu.memory_space<semaphore_mem>> -> memref<!tpu.dma_semaphore, #tpu.memory_space<semaphore_mem>>
        %dma_wait3A_757 = arith.constant 0 : i32
        %dma_wait3A_758 = tpu.memref_slice %arg4[%add3A_746, %dma_wait3A_757] : memref<24576x1024xf32, #tpu.memory_space<hbm>> -> memref<16x1024xf32, #tpu.memory_space<hbm>>
        %dma_wait3A_759 = arith.constant 0 : i32
        %dma_wait3A_760 = arith.constant 0 : i32
        %dma_wait3A_761 = tpu.memref_slice %arg6[%dma_wait3A_747, %dma_wait3A_759, %dma_wait3A_760] : memref<4x16x1024xf32, #tpu.memory_space<vmem>> -> memref<1x16x1024xf32, #tpu.memory_space<vmem>>
        %dma_wait3A_762 = tpu.memref_squeeze %dma_wait3A_761 : memref<1x16x1024xf32, #tpu.memory_space<vmem>> -> memref<16x1024xf32, #tpu.memory_space<vmem>>
        tpu.wait_dma2 semaphore(%dma_wait3A_756 : memref<!tpu.dma_semaphore, #tpu.memory_space<semaphore_mem>>) src(%dma_wait3A_762 : memref<16x1024xf32, #tpu.memory_space<vmem>>) dst(%dma_wait3A_758 : memref<16x1024xf32, #tpu.memory_space<hbm>>)
        %add3A_763 = arith.constant 288 : i32
        %add3A_764 = arith.addi %mul3A_4, %add3A_763 : i32
        %mul3A_765 = arith.constant 16 : i32
        %mul3A_766 = arith.muli %scan3A_124, %mul3A_765 : i32
        %add3A_767 = arith.addi %add3A_764, %mul3A_766 : i32
        %dma_start3A_768 = arith.constant 3 : i32
        %dma_start3A_769 = arith.constant 3 : i32
        %dma_start3A_770 = arith.constant 0 : i32
        %dma_start3A_771 = arith.constant 0 : i32
        %dma_start3A_772 = tpu.memref_slice %arg6[%dma_start3A_768, %dma_start3A_770, %dma_start3A_771] : memref<4x16x1024xf32, #tpu.memory_space<vmem>> -> memref<1x16x1024xf32, #tpu.memory_space<vmem>>
        %dma_start3A_773 = tpu.memref_squeeze %dma_start3A_772 : memref<1x16x1024xf32, #tpu.memory_space<vmem>> -> memref<16x1024xf32, #tpu.memory_space<vmem>>
        %dma_start3A_774 = arith.constant 0 : i32
        %dma_start3A_775 = tpu.memref_slice %arg2[%add3A_767, %dma_start3A_774] : memref<24576x1024xf32, #tpu.memory_space<hbm>> -> memref<16x1024xf32, #tpu.memory_space<hbm>>
        %dma_start3A_776 = tpu.memref_slice %arg8[%dma_start3A_769] : memref<4x!tpu.dma_semaphore, #tpu.memory_space<semaphore_mem>> -> memref<1x!tpu.dma_semaphore, #tpu.memory_space<semaphore_mem>>
        %dma_start3A_777 = tpu.memref_squeeze %dma_start3A_776 : memref<1x!tpu.dma_semaphore, #tpu.memory_space<semaphore_mem>> -> memref<!tpu.dma_semaphore, #tpu.memory_space<semaphore_mem>>
        %dma_start3A_778 = arith.constant 0 : i32
        %dma_start3A_779 = arith.constant 0 : i32
        %dma_start3A_780 = tpu.memref_slice %arg6[%dma_start3A_768, %dma_start3A_778, %dma_start3A_779] : memref<4x16x1024xf32, #tpu.memory_space<vmem>> -> memref<1x16x1024xf32, #tpu.memory_space<vmem>>
        %dma_start3A_781 = tpu.memref_squeeze %dma_start3A_780 : memref<1x16x1024xf32, #tpu.memory_space<vmem>> -> memref<16x1024xf32, #tpu.memory_space<vmem>>
        %dma_start3A_782 = arith.constant 0 : i32
        %dma_start3A_783 = tpu.memref_slice %arg2[%add3A_767, %dma_start3A_782] : memref<24576x1024xf32, #tpu.memory_space<hbm>> -> memref<16x1024xf32, #tpu.memory_space<hbm>>
        tpu.enqueue_dma source(%dma_start3A_783 : memref<16x1024xf32, #tpu.memory_space<hbm>>) target(%dma_start3A_781 : memref<16x1024xf32, #tpu.memory_space<vmem>>) target_semaphore(%dma_start3A_777 : memref<!tpu.dma_semaphore, #tpu.memory_space<semaphore_mem>>)
      } else {
      }
      %eq3A_242 = arith.constant 0 : i32
      %eq3A_243 = arith.cmpi eq, %scan3A_124, %eq3A_242 : i32
      %convert_element_type3A_244 = arith.extui %eq3A_243 : i1 to i32
      %cond3A_245 = arith.constant 0 : i32
      %cond3A_246 = arith.cmpi ne, %convert_element_type3A_244, %cond3A_245 : i32
      scf.if %cond3A_246 {
        %add3A_741 = arith.constant 288 : i32
        %add3A_742 = arith.addi %mul3A_4, %add3A_741 : i32
        %mul3A_743 = arith.constant 16 : i32
        %mul3A_744 = arith.muli %scan3A_124, %mul3A_743 : i32
        %add3A_745 = arith.addi %add3A_742, %mul3A_744 : i32
        %dma_start3A_746 = arith.constant 3 : i32
        %dma_start3A_747 = arith.constant 3 : i32
        %dma_start3A_748 = arith.constant 0 : i32
        %dma_start3A_749 = arith.constant 0 : i32
        %dma_start3A_750 = tpu.memref_slice %arg6[%dma_start3A_746, %dma_start3A_748, %dma_start3A_749] : memref<4x16x1024xf32, #tpu.memory_space<vmem>> -> memref<1x16x1024xf32, #tpu.memory_space<vmem>>
        %dma_start3A_751 = tpu.memref_squeeze %dma_start3A_750 : memref<1x16x1024xf32, #tpu.memory_space<vmem>> -> memref<16x1024xf32, #tpu.memory_space<vmem>>
        %dma_start3A_752 = arith.constant 0 : i32
        %dma_start3A_753 = tpu.memref_slice %arg2[%add3A_745, %dma_start3A_752] : memref<24576x1024xf32, #tpu.memory_space<hbm>> -> memref<16x1024xf32, #tpu.memory_space<hbm>>
        %dma_start3A_754 = tpu.memref_slice %arg8[%dma_start3A_747] : memref<4x!tpu.dma_semaphore, #tpu.memory_space<semaphore_mem>> -> memref<1x!tpu.dma_semaphore, #tpu.memory_space<semaphore_mem>>
        %dma_start3A_755 = tpu.memref_squeeze %dma_start3A_754 : memref<1x!tpu.dma_semaphore, #tpu.memory_space<semaphore_mem>> -> memref<!tpu.dma_semaphore, #tpu.memory_space<semaphore_mem>>
        %dma_start3A_756 = arith.constant 0 : i32
        %dma_start3A_757 = arith.constant 0 : i32
        %dma_start3A_758 = tpu.memref_slice %arg6[%dma_start3A_746, %dma_start3A_756, %dma_start3A_757] : memref<4x16x1024xf32, #tpu.memory_space<vmem>> -> memref<1x16x1024xf32, #tpu.memory_space<vmem>>
        %dma_start3A_759 = tpu.memref_squeeze %dma_start3A_758 : memref<1x16x1024xf32, #tpu.memory_space<vmem>> -> memref<16x1024xf32, #tpu.memory_space<vmem>>
        %dma_start3A_760 = arith.constant 0 : i32
        %dma_start3A_761 = tpu.memref_slice %arg2[%add3A_745, %dma_start3A_760] : memref<24576x1024xf32, #tpu.memory_space<hbm>> -> memref<16x1024xf32, #tpu.memory_space<hbm>>
        tpu.enqueue_dma source(%dma_start3A_761 : memref<16x1024xf32, #tpu.memory_space<hbm>>) target(%dma_start3A_759 : memref<16x1024xf32, #tpu.memory_space<vmem>>) target_semaphore(%dma_start3A_755 : memref<!tpu.dma_semaphore, #tpu.memory_space<semaphore_mem>>)
      } else {
      }
      %add3A_247 = arith.constant 192 : i32
      %add3A_248 = arith.addi %mul3A_4, %add3A_247 : i32
      %mul3A_249 = arith.constant 16 : i32
      %mul3A_250 = arith.muli %scan3A_124, %mul3A_249 : i32
      %add3A_251 = arith.addi %add3A_248, %mul3A_250 : i32
      %dma_wait3A_252 = arith.constant 2 : i32
      %dma_wait3A_253 = arith.constant 2 : i32
      %dma_wait3A_254 = arith.constant 0 : i32
      %dma_wait3A_255 = arith.constant 0 : i32
      %dma_wait3A_256 = tpu.memref_slice %arg6[%dma_wait3A_252, %dma_wait3A_254, %dma_wait3A_255] : memref<4x16x1024xf32, #tpu.memory_space<vmem>> -> memref<1x16x1024xf32, #tpu.memory_space<vmem>>
      %dma_wait3A_257 = tpu.memref_squeeze %dma_wait3A_256 : memref<1x16x1024xf32, #tpu.memory_space<vmem>> -> memref<16x1024xf32, #tpu.memory_space<vmem>>
      %dma_wait3A_258 = arith.constant 0 : i32
      %dma_wait3A_259 = tpu.memref_slice %arg2[%add3A_251, %dma_wait3A_258] : memref<24576x1024xf32, #tpu.memory_space<hbm>> -> memref<16x1024xf32, #tpu.memory_space<hbm>>
      %dma_wait3A_260 = tpu.memref_slice %arg8[%dma_wait3A_253] : memref<4x!tpu.dma_semaphore, #tpu.memory_space<semaphore_mem>> -> memref<1x!tpu.dma_semaphore, #tpu.memory_space<semaphore_mem>>
      %dma_wait3A_261 = tpu.memref_squeeze %dma_wait3A_260 : memref<1x!tpu.dma_semaphore, #tpu.memory_space<semaphore_mem>> -> memref<!tpu.dma_semaphore, #tpu.memory_space<semaphore_mem>>
      %dma_wait3A_262 = arith.constant 0 : i32
      %dma_wait3A_263 = arith.constant 0 : i32
      %dma_wait3A_264 = tpu.memref_slice %arg6[%dma_wait3A_252, %dma_wait3A_262, %dma_wait3A_263] : memref<4x16x1024xf32, #tpu.memory_space<vmem>> -> memref<1x16x1024xf32, #tpu.memory_space<vmem>>
      %dma_wait3A_265 = tpu.memref_squeeze %dma_wait3A_264 : memref<1x16x1024xf32, #tpu.memory_space<vmem>> -> memref<16x1024xf32, #tpu.memory_space<vmem>>
      %dma_wait3A_266 = arith.constant 0 : i32
      %dma_wait3A_267 = tpu.memref_slice %arg2[%add3A_251, %dma_wait3A_266] : memref<24576x1024xf32, #tpu.memory_space<hbm>> -> memref<16x1024xf32, #tpu.memory_space<hbm>>
      tpu.wait_dma2 semaphore(%dma_wait3A_261 : memref<!tpu.dma_semaphore, #tpu.memory_space<semaphore_mem>>) src(%dma_wait3A_267 : memref<16x1024xf32, #tpu.memory_space<hbm>>) dst(%dma_wait3A_265 : memref<16x1024xf32, #tpu.memory_space<vmem>>)
      %parallel_loop3A_268 = arith.constant 0 : i32
      %parallel_loop3A_269 = arith.constant 1024 : i32
      %parallel_loop3A_270 = arith.constant 1 : i32
      scf.for %parallel_loop3A_741 = %parallel_loop3A_268 to %parallel_loop3A_269 step %parallel_loop3A_270  : i32 {
        %parallel_loop3A_742 = arith.constant 64 : i32
        %parallel_loop3A_743 = arith.divsi %parallel_loop3A_741, %parallel_loop3A_742 : i32
        %parallel_loop3A_744 = arith.constant 0 : i32
        %parallel_loop3A_745 = arith.cmpi sgt, %parallel_loop3A_741, %parallel_loop3A_744 : i32
        %parallel_loop3A_746 = arith.extui %parallel_loop3A_745 : i1 to i32
        %parallel_loop3A_747 = arith.constant 0 : i32
        %parallel_loop3A_748 = arith.cmpi slt, %parallel_loop3A_741, %parallel_loop3A_747 : i32
        %parallel_loop3A_749 = arith.extui %parallel_loop3A_748 : i1 to i32
        %parallel_loop3A_750 = arith.subi %parallel_loop3A_746, %parallel_loop3A_749 : i32
        %parallel_loop3A_751 = arith.constant 0 : i32
        %parallel_loop3A_752 = arith.cmpi sgt, %parallel_loop3A_742, %parallel_loop3A_751 : i32
        %parallel_loop3A_753 = arith.extui %parallel_loop3A_752 : i1 to i32
        %parallel_loop3A_754 = arith.constant 0 : i32
        %parallel_loop3A_755 = arith.cmpi slt, %parallel_loop3A_742, %parallel_loop3A_754 : i32
        %parallel_loop3A_756 = arith.extui %parallel_loop3A_755 : i1 to i32
        %parallel_loop3A_757 = arith.subi %parallel_loop3A_753, %parallel_loop3A_756 : i32
        %parallel_loop3A_758 = arith.cmpi ne, %parallel_loop3A_750, %parallel_loop3A_757 : i32
        %parallel_loop3A_759 = arith.remsi %parallel_loop3A_741, %parallel_loop3A_742 : i32
        %parallel_loop3A_760 = arith.constant 0 : i32
        %parallel_loop3A_761 = arith.cmpi ne, %parallel_loop3A_759, %parallel_loop3A_760 : i32
        %parallel_loop3A_762 = arith.andi %parallel_loop3A_758, %parallel_loop3A_761 : i1
        %parallel_loop3A_763 = arith.constant 1 : i32
        %parallel_loop3A_764 = arith.subi %parallel_loop3A_743, %parallel_loop3A_763 : i32
        %parallel_loop3A_765 = arith.select %parallel_loop3A_762, %parallel_loop3A_764, %parallel_loop3A_743 : i32
        %parallel_loop3A_766 = arith.constant 64 : i32
        %parallel_loop3A_767 = arith.constant 0 : i32
        %parallel_loop3A_768 = arith.cmpi eq, %parallel_loop3A_766, %parallel_loop3A_767 : i32
        %parallel_loop3A_769 = arith.constant 1 : i32
        %parallel_loop3A_770 = arith.select %parallel_loop3A_768, %parallel_loop3A_769, %parallel_loop3A_766 : i32
        %parallel_loop3A_771 = arith.remsi %parallel_loop3A_741, %parallel_loop3A_770 : i32
        %parallel_loop3A_772 = arith.constant 0 : i32
        %parallel_loop3A_773 = arith.cmpi ne, %parallel_loop3A_771, %parallel_loop3A_772 : i32
        %parallel_loop3A_774 = arith.constant 0 : i32
        %parallel_loop3A_775 = arith.cmpi slt, %parallel_loop3A_771, %parallel_loop3A_774 : i32
        %parallel_loop3A_776 = arith.constant 0 : i32
        %parallel_loop3A_777 = arith.cmpi slt, %parallel_loop3A_770, %parallel_loop3A_776 : i32
        %parallel_loop3A_778 = arith.xori %parallel_loop3A_775, %parallel_loop3A_777 : i1
        %parallel_loop3A_779 = arith.andi %parallel_loop3A_778, %parallel_loop3A_773 : i1
        %parallel_loop3A_780 = arith.addi %parallel_loop3A_771, %parallel_loop3A_770 : i32
        %parallel_loop3A_781 = arith.select %parallel_loop3A_779, %parallel_loop3A_780, %parallel_loop3A_771 : i32
        %parallel_loop3A_782 = arith.constant 16 : i32
        %parallel_loop3A_783 = arith.muli %parallel_loop3A_781, %parallel_loop3A_782 : i32
        %parallel_loop3A_784 = arith.constant 2 : i32
        %parallel_loop3A_785 = arith.index_cast %parallel_loop3A_784 : i32 to index
        %parallel_loop3A_786 = arith.index_cast %parallel_loop3A_765 : i32 to index
        %parallel_loop3A_787 = arith.index_cast %parallel_loop3A_783 : i32 to index
        %parallel_loop3A_788 = tpu.vector_load %arg6[%parallel_loop3A_785, %parallel_loop3A_786, %parallel_loop3A_787] {strides = array<i32>} : memref<4x16x1024xf32, #tpu.memory_space<vmem>>, vector<1x1x16xf32>,
        %parallel_loop3A_789 = vector.shape_cast %parallel_loop3A_788 : vector<1x1x16xf32> to vector<16xf32>
        %parallel_loop3A_790 = arith.index_cast %rem3A_125 : i32 to index
        %parallel_loop3A_791 = arith.index_cast %parallel_loop3A_765 : i32 to index
        %parallel_loop3A_792 = arith.index_cast %parallel_loop3A_783 : i32 to index
        %parallel_loop3A_793 = tpu.vector_load %arg5[%parallel_loop3A_790, %parallel_loop3A_791, %parallel_loop3A_792] {strides = array<i32>} : memref<2x16x1024xf32, #tpu.memory_space<vmem>>, vector<1x1x16xf32>,
        %parallel_loop3A_794 = vector.shape_cast %parallel_loop3A_793 : vector<1x1x16xf32> to vector<16xf32>
        %parallel_loop3A_795 = arith.addf %parallel_loop3A_789, %parallel_loop3A_794 : vector<16xf32>
        %parallel_loop3A_796 = arith.constant 2 : i32
        %parallel_loop3A_797 = arith.index_cast %parallel_loop3A_796 : i32 to index
        %parallel_loop3A_798 = arith.index_cast %parallel_loop3A_765 : i32 to index
        %parallel_loop3A_799 = arith.index_cast %parallel_loop3A_783 : i32 to index
        %parallel_loop3A_800 = tpu.vector_load %arg6[%parallel_loop3A_797, %parallel_loop3A_798, %parallel_loop3A_799] {strides = array<i32>} : memref<4x16x1024xf32, #tpu.memory_space<vmem>>, vector<1x1x16xf32>,
        %parallel_loop3A_801 = vector.shape_cast %parallel_loop3A_800 : vector<1x1x16xf32> to vector<16xf32>
        %parallel_loop3A_802 = vector.shape_cast %parallel_loop3A_795 : vector<16xf32> to vector<1x1x16xf32>
        tpu.vector_store %arg6[%parallel_loop3A_797, %parallel_loop3A_798, %parallel_loop3A_799], %parallel_loop3A_802 {strides = array<i32>} : memref<4x16x1024xf32, #tpu.memory_space<vmem>>, vector<1x1x16xf32>,
      } {sc.loop_unroll_factor = 8 : i64, sc.parallel_access}
      %add3A_271 = arith.constant 192 : i32
      %add3A_272 = arith.addi %mul3A_4, %add3A_271 : i32
      %mul3A_273 = arith.constant 16 : i32
      %mul3A_274 = arith.muli %scan3A_124, %mul3A_273 : i32
      %add3A_275 = arith.addi %add3A_272, %mul3A_274 : i32
      %dma_start3A_276 = arith.constant 2 : i32
      %dma_start3A_277 = arith.constant 2 : i32
      %dma_start3A_278 = arith.constant 0 : i32
      %dma_start3A_279 = arith.constant 0 : i32
      %dma_start3A_280 = tpu.memref_slice %arg6[%dma_start3A_276, %dma_start3A_278, %dma_start3A_279] : memref<4x16x1024xf32, #tpu.memory_space<vmem>> -> memref<1x16x1024xf32, #tpu.memory_space<vmem>>
      %dma_start3A_281 = tpu.memref_squeeze %dma_start3A_280 : memref<1x16x1024xf32, #tpu.memory_space<vmem>> -> memref<16x1024xf32, #tpu.memory_space<vmem>>
      %dma_start3A_282 = arith.constant 0 : i32
      %dma_start3A_283 = tpu.memref_slice %arg4[%add3A_275, %dma_start3A_282] : memref<24576x1024xf32, #tpu.memory_space<hbm>> -> memref<16x1024xf32, #tpu.memory_space<hbm>>
      %dma_start3A_284 = tpu.memref_slice %arg9[%dma_start3A_277] : memref<4x!tpu.dma_semaphore, #tpu.memory_space<semaphore_mem>> -> memref<1x!tpu.dma_semaphore, #tpu.memory_space<semaphore_mem>>
      %dma_start3A_285 = tpu.memref_squeeze %dma_start3A_284 : memref<1x!tpu.dma_semaphore, #tpu.memory_space<semaphore_mem>> -> memref<!tpu.dma_semaphore, #tpu.memory_space<semaphore_mem>>
      %dma_start3A_286 = arith.constant 0 : i32
      %dma_start3A_287 = tpu.memref_slice %arg4[%add3A_275, %dma_start3A_286] : memref<24576x1024xf32, #tpu.memory_space<hbm>> -> memref<16x1024xf32, #tpu.memory_space<hbm>>
      %dma_start3A_288 = arith.constant 0 : i32
      %dma_start3A_289 = arith.constant 0 : i32
      %dma_start3A_290 = tpu.memref_slice %arg6[%dma_start3A_276, %dma_start3A_288, %dma_start3A_289] : memref<4x16x1024xf32, #tpu.memory_space<vmem>> -> memref<1x16x1024xf32, #tpu.memory_space<vmem>>
      %dma_start3A_291 = tpu.memref_squeeze %dma_start3A_290 : memref<1x16x1024xf32, #tpu.memory_space<vmem>> -> memref<16x1024xf32, #tpu.memory_space<vmem>>
      tpu.enqueue_dma source(%dma_start3A_291 : memref<16x1024xf32, #tpu.memory_space<vmem>>) target(%dma_start3A_287 : memref<16x1024xf32, #tpu.memory_space<hbm>>) target_semaphore(%dma_start3A_285 : memref<!tpu.dma_semaphore, #tpu.memory_space<semaphore_mem>>)
      %add3A_292 = arith.constant 0 : i32
      %add3A_293 = arith.addi %mul3A_4, %add3A_292 : i32
      %mul3A_294 = arith.constant 16 : i32
      %mul3A_295 = arith.muli %scan3A_124, %mul3A_294 : i32
      %add3A_296 = arith.addi %add3A_293, %mul3A_295 : i32
      %dma_wait3A_297 = arith.constant 0 : i32
      %dma_wait3A_298 = arith.constant 0 : i32
      %dma_wait3A_299 = arith.constant 0 : i32
      %dma_wait3A_300 = arith.constant 0 : i32
      %dma_wait3A_301 = tpu.memref_slice %arg6[%dma_wait3A_297, %dma_wait3A_299, %dma_wait3A_300] : memref<4x16x1024xf32, #tpu.memory_space<vmem>> -> memref<1x16x1024xf32, #tpu.memory_space<vmem>>
      %dma_wait3A_302 = tpu.memref_squeeze %dma_wait3A_301 : memref<1x16x1024xf32, #tpu.memory_space<vmem>> -> memref<16x1024xf32, #tpu.memory_space<vmem>>
      %dma_wait3A_303 = arith.constant 0 : i32
      %dma_wait3A_304 = tpu.memref_slice %arg4[%add3A_296, %dma_wait3A_303] : memref<24576x1024xf32, #tpu.memory_space<hbm>> -> memref<16x1024xf32, #tpu.memory_space<hbm>>
      %dma_wait3A_305 = tpu.memref_slice %arg9[%dma_wait3A_298] : memref<4x!tpu.dma_semaphore, #tpu.memory_space<semaphore_mem>> -> memref<1x!tpu.dma_semaphore, #tpu.memory_space<semaphore_mem>>
      %dma_wait3A_306 = tpu.memref_squeeze %dma_wait3A_305 : memref<1x!tpu.dma_semaphore, #tpu.memory_space<semaphore_mem>> -> memref<!tpu.dma_semaphore, #tpu.memory_space<semaphore_mem>>
      %dma_wait3A_307 = arith.constant 0 : i32
      %dma_wait3A_308 = tpu.memref_slice %arg4[%add3A_296, %dma_wait3A_307] : memref<24576x1024xf32, #tpu.memory_space<hbm>> -> memref<16x1024xf32, #tpu.memory_space<hbm>>
      %dma_wait3A_309 = arith.constant 0 : i32
      %dma_wait3A_310 = arith.constant 0 : i32
      %dma_wait3A_311 = tpu.memref_slice %arg6[%dma_wait3A_297, %dma_wait3A_309, %dma_wait3A_310] : memref<4x16x1024xf32, #tpu.memory_space<vmem>> -> memref<1x16x1024xf32, #tpu.memory_space<vmem>>
      %dma_wait3A_312 = tpu.memref_squeeze %dma_wait3A_311 : memref<1x16x1024xf32, #tpu.memory_space<vmem>> -> memref<16x1024xf32, #tpu.memory_space<vmem>>
      tpu.wait_dma2 semaphore(%dma_wait3A_306 : memref<!tpu.dma_semaphore, #tpu.memory_space<semaphore_mem>>) src(%dma_wait3A_312 : memref<16x1024xf32, #tpu.memory_space<vmem>>) dst(%dma_wait3A_308 : memref<16x1024xf32, #tpu.memory_space<hbm>>)
      %add3A_313 = arith.constant 384 : i32
      %add3A_314 = arith.addi %mul3A_4, %add3A_313 : i32
      %mul3A_315 = arith.constant 16 : i32
      %mul3A_316 = arith.muli %scan3A_124, %mul3A_315 : i32
      %add3A_317 = arith.addi %add3A_314, %mul3A_316 : i32
      %dma_start3A_318 = arith.constant 0 : i32
      %dma_start3A_319 = arith.constant 0 : i32
      %dma_start3A_320 = arith.constant 0 : i32
      %dma_start3A_321 = arith.constant 0 : i32
      %dma_start3A_322 = tpu.memref_slice %arg6[%dma_start3A_318, %dma_start3A_320, %dma_start3A_321] : memref<4x16x1024xf32, #tpu.memory_space<vmem>> -> memref<1x16x1024xf32, #tpu.memory_space<vmem>>
      %dma_start3A_323 = tpu.memref_squeeze %dma_start3A_322 : memref<1x16x1024xf32, #tpu.memory_space<vmem>> -> memref<16x1024xf32, #tpu.memory_space<vmem>>
      %dma_start3A_324 = arith.constant 0 : i32
      %dma_start3A_325 = tpu.memref_slice %arg2[%add3A_317, %dma_start3A_324] : memref<24576x1024xf32, #tpu.memory_space<hbm>> -> memref<16x1024xf32, #tpu.memory_space<hbm>>
      %dma_start3A_326 = tpu.memref_slice %arg8[%dma_start3A_319] : memref<4x!tpu.dma_semaphore, #tpu.memory_space<semaphore_mem>> -> memref<1x!tpu.dma_semaphore, #tpu.memory_space<semaphore_mem>>
      %dma_start3A_327 = tpu.memref_squeeze %dma_start3A_326 : memref<1x!tpu.dma_semaphore, #tpu.memory_space<semaphore_mem>> -> memref<!tpu.dma_semaphore, #tpu.memory_space<semaphore_mem>>
      %dma_start3A_328 = arith.constant 0 : i32
      %dma_start3A_329 = arith.constant 0 : i32
      %dma_start3A_330 = tpu.memref_slice %arg6[%dma_start3A_318, %dma_start3A_328, %dma_start3A_329] : memref<4x16x1024xf32, #tpu.memory_space<vmem>> -> memref<1x16x1024xf32, #tpu.memory_space<vmem>>
      %dma_start3A_331 = tpu.memref_squeeze %dma_start3A_330 : memref<1x16x1024xf32, #tpu.memory_space<vmem>> -> memref<16x1024xf32, #tpu.memory_space<vmem>>
      %dma_start3A_332 = arith.constant 0 : i32
      %dma_start3A_333 = tpu.memref_slice %arg2[%add3A_317, %dma_start3A_332] : memref<24576x1024xf32, #tpu.memory_space<hbm>> -> memref<16x1024xf32, #tpu.memory_space<hbm>>
      tpu.enqueue_dma source(%dma_start3A_333 : memref<16x1024xf32, #tpu.memory_space<hbm>>) target(%dma_start3A_331 : memref<16x1024xf32, #tpu.memory_space<vmem>>) target_semaphore(%dma_start3A_327 : memref<!tpu.dma_semaphore, #tpu.memory_space<semaphore_mem>>)
      %add3A_334 = arith.constant 288 : i32
      %add3A_335 = arith.addi %mul3A_4, %add3A_334 : i32
      %mul3A_336 = arith.constant 16 : i32
      %mul3A_337 = arith.muli %scan3A_124, %mul3A_336 : i32
      %add3A_338 = arith.addi %add3A_335, %mul3A_337 : i32
      %dma_wait3A_339 = arith.constant 3 : i32
      %dma_wait3A_340 = arith.constant 3 : i32
      %dma_wait3A_341 = arith.constant 0 : i32
      %dma_wait3A_342 = arith.constant 0 : i32
      %dma_wait3A_343 = tpu.memref_slice %arg6[%dma_wait3A_339, %dma_wait3A_341, %dma_wait3A_342] : memref<4x16x1024xf32, #tpu.memory_space<vmem>> -> memref<1x16x1024xf32, #tpu.memory_space<vmem>>
      %dma_wait3A_344 = tpu.memref_squeeze %dma_wait3A_343 : memref<1x16x1024xf32, #tpu.memory_space<vmem>> -> memref<16x1024xf32, #tpu.memory_space<vmem>>
      %dma_wait3A_345 = arith.constant 0 : i32
      %dma_wait3A_346 = tpu.memref_slice %arg2[%add3A_338, %dma_wait3A_345] : memref<24576x1024xf32, #tpu.memory_space<hbm>> -> memref<16x1024xf32, #tpu.memory_space<hbm>>
      %dma_wait3A_347 = tpu.memref_slice %arg8[%dma_wait3A_340] : memref<4x!tpu.dma_semaphore, #tpu.memory_space<semaphore_mem>> -> memref<1x!tpu.dma_semaphore, #tpu.memory_space<semaphore_mem>>
      %dma_wait3A_348 = tpu.memref_squeeze %dma_wait3A_347 : memref<1x!tpu.dma_semaphore, #tpu.memory_space<semaphore_mem>> -> memref<!tpu.dma_semaphore, #tpu.memory_space<semaphore_mem>>
      %dma_wait3A_349 = arith.constant 0 : i32
      %dma_wait3A_350 = arith.constant 0 : i32
      %dma_wait3A_351 = tpu.memref_slice %arg6[%dma_wait3A_339, %dma_wait3A_349, %dma_wait3A_350] : memref<4x16x1024xf32, #tpu.memory_space<vmem>> -> memref<1x16x1024xf32, #tpu.memory_space<vmem>>
      %dma_wait3A_352 = tpu.memref_squeeze %dma_wait3A_351 : memref<1x16x1024xf32, #tpu.memory_space<vmem>> -> memref<16x1024xf32, #tpu.memory_space<vmem>>
      %dma_wait3A_353 = arith.constant 0 : i32
      %dma_wait3A_354 = tpu.memref_slice %arg2[%add3A_338, %dma_wait3A_353] : memref<24576x1024xf32, #tpu.memory_space<hbm>> -> memref<16x1024xf32, #tpu.memory_space<hbm>>
      tpu.wait_dma2 semaphore(%dma_wait3A_348 : memref<!tpu.dma_semaphore, #tpu.memory_space<semaphore_mem>>) src(%dma_wait3A_354 : memref<16x1024xf32, #tpu.memory_space<hbm>>) dst(%dma_wait3A_352 : memref<16x1024xf32, #tpu.memory_space<vmem>>)
      %parallel_loop3A_355 = arith.constant 0 : i32
      %parallel_loop3A_356 = arith.constant 1024 : i32
      %parallel_loop3A_357 = arith.constant 1 : i32
      scf.for %parallel_loop3A_741 = %parallel_loop3A_355 to %parallel_loop3A_356 step %parallel_loop3A_357  : i32 {
        %parallel_loop3A_742 = arith.constant 64 : i32
        %parallel_loop3A_743 = arith.divsi %parallel_loop3A_741, %parallel_loop3A_742 : i32
        %parallel_loop3A_744 = arith.constant 0 : i32
        %parallel_loop3A_745 = arith.cmpi sgt, %parallel_loop3A_741, %parallel_loop3A_744 : i32
        %parallel_loop3A_746 = arith.extui %parallel_loop3A_745 : i1 to i32
        %parallel_loop3A_747 = arith.constant 0 : i32
        %parallel_loop3A_748 = arith.cmpi slt, %parallel_loop3A_741, %parallel_loop3A_747 : i32
        %parallel_loop3A_749 = arith.extui %parallel_loop3A_748 : i1 to i32
        %parallel_loop3A_750 = arith.subi %parallel_loop3A_746, %parallel_loop3A_749 : i32
        %parallel_loop3A_751 = arith.constant 0 : i32
        %parallel_loop3A_752 = arith.cmpi sgt, %parallel_loop3A_742, %parallel_loop3A_751 : i32
        %parallel_loop3A_753 = arith.extui %parallel_loop3A_752 : i1 to i32
        %parallel_loop3A_754 = arith.constant 0 : i32
        %parallel_loop3A_755 = arith.cmpi slt, %parallel_loop3A_742, %parallel_loop3A_754 : i32
        %parallel_loop3A_756 = arith.extui %parallel_loop3A_755 : i1 to i32
        %parallel_loop3A_757 = arith.subi %parallel_loop3A_753, %parallel_loop3A_756 : i32
        %parallel_loop3A_758 = arith.cmpi ne, %parallel_loop3A_750, %parallel_loop3A_757 : i32
        %parallel_loop3A_759 = arith.remsi %parallel_loop3A_741, %parallel_loop3A_742 : i32
        %parallel_loop3A_760 = arith.constant 0 : i32
        %parallel_loop3A_761 = arith.cmpi ne, %parallel_loop3A_759, %parallel_loop3A_760 : i32
        %parallel_loop3A_762 = arith.andi %parallel_loop3A_758, %parallel_loop3A_761 : i1
        %parallel_loop3A_763 = arith.constant 1 : i32
        %parallel_loop3A_764 = arith.subi %parallel_loop3A_743, %parallel_loop3A_763 : i32
        %parallel_loop3A_765 = arith.select %parallel_loop3A_762, %parallel_loop3A_764, %parallel_loop3A_743 : i32
        %parallel_loop3A_766 = arith.constant 64 : i32
        %parallel_loop3A_767 = arith.constant 0 : i32
        %parallel_loop3A_768 = arith.cmpi eq, %parallel_loop3A_766, %parallel_loop3A_767 : i32
        %parallel_loop3A_769 = arith.constant 1 : i32
        %parallel_loop3A_770 = arith.select %parallel_loop3A_768, %parallel_loop3A_769, %parallel_loop3A_766 : i32
        %parallel_loop3A_771 = arith.remsi %parallel_loop3A_741, %parallel_loop3A_770 : i32
        %parallel_loop3A_772 = arith.constant 0 : i32
        %parallel_loop3A_773 = arith.cmpi ne, %parallel_loop3A_771, %parallel_loop3A_772 : i32
        %parallel_loop3A_774 = arith.constant 0 : i32
        %parallel_loop3A_775 = arith.cmpi slt, %parallel_loop3A_771, %parallel_loop3A_774 : i32
        %parallel_loop3A_776 = arith.constant 0 : i32
        %parallel_loop3A_777 = arith.cmpi slt, %parallel_loop3A_770, %parallel_loop3A_776 : i32
        %parallel_loop3A_778 = arith.xori %parallel_loop3A_775, %parallel_loop3A_777 : i1
        %parallel_loop3A_779 = arith.andi %parallel_loop3A_778, %parallel_loop3A_773 : i1
        %parallel_loop3A_780 = arith.addi %parallel_loop3A_771, %parallel_loop3A_770 : i32
        %parallel_loop3A_781 = arith.select %parallel_loop3A_779, %parallel_loop3A_780, %parallel_loop3A_771 : i32
        %parallel_loop3A_782 = arith.constant 16 : i32
        %parallel_loop3A_783 = arith.muli %parallel_loop3A_781, %parallel_loop3A_782 : i32
        %parallel_loop3A_784 = arith.constant 3 : i32
        %parallel_loop3A_785 = arith.index_cast %parallel_loop3A_784 : i32 to index
        %parallel_loop3A_786 = arith.index_cast %parallel_loop3A_765 : i32 to index
        %parallel_loop3A_787 = arith.index_cast %parallel_loop3A_783 : i32 to index
        %parallel_loop3A_788 = tpu.vector_load %arg6[%parallel_loop3A_785, %parallel_loop3A_786, %parallel_loop3A_787] {strides = array<i32>} : memref<4x16x1024xf32, #tpu.memory_space<vmem>>, vector<1x1x16xf32>,
        %parallel_loop3A_789 = vector.shape_cast %parallel_loop3A_788 : vector<1x1x16xf32> to vector<16xf32>
        %parallel_loop3A_790 = arith.index_cast %rem3A_125 : i32 to index
        %parallel_loop3A_791 = arith.index_cast %parallel_loop3A_765 : i32 to index
        %parallel_loop3A_792 = arith.index_cast %parallel_loop3A_783 : i32 to index
        %parallel_loop3A_793 = tpu.vector_load %arg5[%parallel_loop3A_790, %parallel_loop3A_791, %parallel_loop3A_792] {strides = array<i32>} : memref<2x16x1024xf32, #tpu.memory_space<vmem>>, vector<1x1x16xf32>,
        %parallel_loop3A_794 = vector.shape_cast %parallel_loop3A_793 : vector<1x1x16xf32> to vector<16xf32>
        %parallel_loop3A_795 = arith.addf %parallel_loop3A_789, %parallel_loop3A_794 : vector<16xf32>
        %parallel_loop3A_796 = arith.constant 3 : i32
        %parallel_loop3A_797 = arith.index_cast %parallel_loop3A_796 : i32 to index
        %parallel_loop3A_798 = arith.index_cast %parallel_loop3A_765 : i32 to index
        %parallel_loop3A_799 = arith.index_cast %parallel_loop3A_783 : i32 to index
        %parallel_loop3A_800 = tpu.vector_load %arg6[%parallel_loop3A_797, %parallel_loop3A_798, %parallel_loop3A_799] {strides = array<i32>} : memref<4x16x1024xf32, #tpu.memory_space<vmem>>, vector<1x1x16xf32>,
        %parallel_loop3A_801 = vector.shape_cast %parallel_loop3A_800 : vector<1x1x16xf32> to vector<16xf32>
        %parallel_loop3A_802 = vector.shape_cast %parallel_loop3A_795 : vector<16xf32> to vector<1x1x16xf32>
        tpu.vector_store %arg6[%parallel_loop3A_797, %parallel_loop3A_798, %parallel_loop3A_799], %parallel_loop3A_802 {strides = array<i32>} : memref<4x16x1024xf32, #tpu.memory_space<vmem>>, vector<1x1x16xf32>,
      } {sc.loop_unroll_factor = 8 : i64, sc.parallel_access}
      %add3A_358 = arith.constant 288 : i32
      %add3A_359 = arith.addi %mul3A_4, %add3A_358 : i32
      %mul3A_360 = arith.constant 16 : i32
      %mul3A_361 = arith.muli %scan3A_124, %mul3A_360 : i32
      %add3A_362 = arith.addi %add3A_359, %mul3A_361 : i32
      %dma_start3A_363 = arith.constant 3 : i32
      %dma_start3A_364 = arith.constant 3 : i32
      %dma_start3A_365 = arith.constant 0 : i32
      %dma_start3A_366 = arith.constant 0 : i32
      %dma_start3A_367 = tpu.memref_slice %arg6[%dma_start3A_363, %dma_start3A_365, %dma_start3A_366] : memref<4x16x1024xf32, #tpu.memory_space<vmem>> -> memref<1x16x1024xf32, #tpu.memory_space<vmem>>
      %dma_start3A_368 = tpu.memref_squeeze %dma_start3A_367 : memref<1x16x1024xf32, #tpu.memory_space<vmem>> -> memref<16x1024xf32, #tpu.memory_space<vmem>>
      %dma_start3A_369 = arith.constant 0 : i32
      %dma_start3A_370 = tpu.memref_slice %arg4[%add3A_362, %dma_start3A_369] : memref<24576x1024xf32, #tpu.memory_space<hbm>> -> memref<16x1024xf32, #tpu.memory_space<hbm>>
      %dma_start3A_371 = tpu.memref_slice %arg9[%dma_start3A_364] : memref<4x!tpu.dma_semaphore, #tpu.memory_space<semaphore_mem>> -> memref<1x!tpu.dma_semaphore, #tpu.memory_space<semaphore_mem>>
      %dma_start3A_372 = tpu.memref_squeeze %dma_start3A_371 : memref<1x!tpu.dma_semaphore, #tpu.memory_space<semaphore_mem>> -> memref<!tpu.dma_semaphore, #tpu.memory_space<semaphore_mem>>
      %dma_start3A_373 = arith.constant 0 : i32
      %dma_start3A_374 = tpu.memref_slice %arg4[%add3A_362, %dma_start3A_373] : memref<24576x1024xf32, #tpu.memory_space<hbm>> -> memref<16x1024xf32, #tpu.memory_space<hbm>>
      %dma_start3A_375 = arith.constant 0 : i32
      %dma_start3A_376 = arith.constant 0 : i32
      %dma_start3A_377 = tpu.memref_slice %arg6[%dma_start3A_363, %dma_start3A_375, %dma_start3A_376] : memref<4x16x1024xf32, #tpu.memory_space<vmem>> -> memref<1x16x1024xf32, #tpu.memory_space<vmem>>
      %dma_start3A_378 = tpu.memref_squeeze %dma_start3A_377 : memref<1x16x1024xf32, #tpu.memory_space<vmem>> -> memref<16x1024xf32, #tpu.memory_space<vmem>>
      tpu.enqueue_dma source(%dma_start3A_378 : memref<16x1024xf32, #tpu.memory_space<vmem>>) target(%dma_start3A_374 : memref<16x1024xf32, #tpu.memory_space<hbm>>) target_semaphore(%dma_start3A_372 : memref<!tpu.dma_semaphore, #tpu.memory_space<semaphore_mem>>)
      %add3A_379 = arith.constant 96 : i32
      %add3A_380 = arith.addi %mul3A_4, %add3A_379 : i32
      %mul3A_381 = arith.constant 16 : i32
      %mul3A_382 = arith.muli %scan3A_124, %mul3A_381 : i32
      %add3A_383 = arith.addi %add3A_380, %mul3A_382 : i32
      %dma_wait3A_384 = arith.constant 1 : i32
      %dma_wait3A_385 = arith.constant 1 : i32
      %dma_wait3A_386 = arith.constant 0 : i32
      %dma_wait3A_387 = arith.constant 0 : i32
      %dma_wait3A_388 = tpu.memref_slice %arg6[%dma_wait3A_384, %dma_wait3A_386, %dma_wait3A_387] : memref<4x16x1024xf32, #tpu.memory_space<vmem>> -> memref<1x16x1024xf32, #tpu.memory_space<vmem>>
      %dma_wait3A_389 = tpu.memref_squeeze %dma_wait3A_388 : memref<1x16x1024xf32, #tpu.memory_space<vmem>> -> memref<16x1024xf32, #tpu.memory_space<vmem>>
      %dma_wait3A_390 = arith.constant 0 : i32
      %dma_wait3A_391 = tpu.memref_slice %arg4[%add3A_383, %dma_wait3A_390] : memref<24576x1024xf32, #tpu.memory_space<hbm>> -> memref<16x1024xf32, #tpu.memory_space<hbm>>
      %dma_wait3A_392 = tpu.memref_slice %arg9[%dma_wait3A_385] : memref<4x!tpu.dma_semaphore, #tpu.memory_space<semaphore_mem>> -> memref<1x!tpu.dma_semaphore, #tpu.memory_space<semaphore_mem>>
      %dma_wait3A_393 = tpu.memref_squeeze %dma_wait3A_392 : memref<1x!tpu.dma_semaphore, #tpu.memory_space<semaphore_mem>> -> memref<!tpu.dma_semaphore, #tpu.memory_space<semaphore_mem>>
      %dma_wait3A_394 = arith.constant 0 : i32
      %dma_wait3A_395 = tpu.memref_slice %arg4[%add3A_383, %dma_wait3A_394] : memref<24576x1024xf32, #tpu.memory_space<hbm>> -> memref<16x1024xf32, #tpu.memory_space<hbm>>
      %dma_wait3A_396 = arith.constant 0 : i32
      %dma_wait3A_397 = arith.constant 0 : i32
      %dma_wait3A_398 = tpu.memref_slice %arg6[%dma_wait3A_384, %dma_wait3A_396, %dma_wait3A_397] : memref<4x16x1024xf32, #tpu.memory_space<vmem>> -> memref<1x16x1024xf32, #tpu.memory_space<vmem>>
      %dma_wait3A_399 = tpu.memref_squeeze %dma_wait3A_398 : memref<1x16x1024xf32, #tpu.memory_space<vmem>> -> memref<16x1024xf32, #tpu.memory_space<vmem>>
      tpu.wait_dma2 semaphore(%dma_wait3A_393 : memref<!tpu.dma_semaphore, #tpu.memory_space<semaphore_mem>>) src(%dma_wait3A_399 : memref<16x1024xf32, #tpu.memory_space<vmem>>) dst(%dma_wait3A_395 : memref<16x1024xf32, #tpu.memory_space<hbm>>)
      %add3A_400 = arith.constant 480 : i32
      %add3A_401 = arith.addi %mul3A_4, %add3A_400 : i32
      %mul3A_402 = arith.constant 16 : i32
      %mul3A_403 = arith.muli %scan3A_124, %mul3A_402 : i32
      %add3A_404 = arith.addi %add3A_401, %mul3A_403 : i32
      %dma_start3A_405 = arith.constant 1 : i32
      %dma_start3A_406 = arith.constant 1 : i32
      %dma_start3A_407 = arith.constant 0 : i32
      %dma_start3A_408 = arith.constant 0 : i32
      %dma_start3A_409 = tpu.memref_slice %arg6[%dma_start3A_405, %dma_start3A_407, %dma_start3A_408] : memref<4x16x1024xf32, #tpu.memory_space<vmem>> -> memref<1x16x1024xf32, #tpu.memory_space<vmem>>
      %dma_start3A_410 = tpu.memref_squeeze %dma_start3A_409 : memref<1x16x1024xf32, #tpu.memory_space<vmem>> -> memref<16x1024xf32, #tpu.memory_space<vmem>>
      %dma_start3A_411 = arith.constant 0 : i32
      %dma_start3A_412 = tpu.memref_slice %arg2[%add3A_404, %dma_start3A_411] : memref<24576x1024xf32, #tpu.memory_space<hbm>> -> memref<16x1024xf32, #tpu.memory_space<hbm>>
      %dma_start3A_413 = tpu.memref_slice %arg8[%dma_start3A_406] : memref<4x!tpu.dma_semaphore, #tpu.memory_space<semaphore_mem>> -> memref<1x!tpu.dma_semaphore, #tpu.memory_space<semaphore_mem>>
      %dma_start3A_414 = tpu.memref_squeeze %dma_start3A_413 : memref<1x!tpu.dma_semaphore, #tpu.memory_space<semaphore_mem>> -> memref<!tpu.dma_semaphore, #tpu.memory_space<semaphore_mem>>
      %dma_start3A_415 = arith.constant 0 : i32
      %dma_start3A_416 = arith.constant 0 : i32
      %dma_start3A_417 = tpu.memref_slice %arg6[%dma_start3A_405, %dma_start3A_415, %dma_start3A_416] : memref<4x16x1024xf32, #tpu.memory_space<vmem>> -> memref<1x16x1024xf32, #tpu.memory_space<vmem>>
      %dma_start3A_418 = tpu.memref_squeeze %dma_start3A_417 : memref<1x16x1024xf32, #tpu.memory_space<vmem>> -> memref<16x1024xf32, #tpu.memory_space<vmem>>
      %dma_start3A_419 = arith.constant 0 : i32
      %dma_start3A_420 = tpu.memref_slice %arg2[%add3A_404, %dma_start3A_419] : memref<24576x1024xf32, #tpu.memory_space<hbm>> -> memref<16x1024xf32, #tpu.memory_space<hbm>>
      tpu.enqueue_dma source(%dma_start3A_420 : memref<16x1024xf32, #tpu.memory_space<hbm>>) target(%dma_start3A_418 : memref<16x1024xf32, #tpu.memory_space<vmem>>) target_semaphore(%dma_start3A_414 : memref<!tpu.dma_semaphore, #tpu.memory_space<semaphore_mem>>)
      %add3A_421 = arith.constant 384 : i32
      %add3A_422 = arith.addi %mul3A_4, %add3A_421 : i32
      %mul3A_423 = arith.constant 16 : i32
      %mul3A_424 = arith.muli %scan3A_124, %mul3A_423 : i32
      %add3A_425 = arith.addi %add3A_422, %mul3A_424 : i32
      %dma_wait3A_426 = arith.constant 0 : i32
      %dma_wait3A_427 = arith.constant 0 : i32
      %dma_wait3A_428 = arith.constant 0 : i32
      %dma_wait3A_429 = arith.constant 0 : i32
      %dma_wait3A_430 = tpu.memref_slice %arg6[%dma_wait3A_426, %dma_wait3A_428, %dma_wait3A_429] : memref<4x16x1024xf32, #tpu.memory_space<vmem>> -> memref<1x16x1024xf32, #tpu.memory_space<vmem>>
      %dma_wait3A_431 = tpu.memref_squeeze %dma_wait3A_430 : memref<1x16x1024xf32, #tpu.memory_space<vmem>> -> memref<16x1024xf32, #tpu.memory_space<vmem>>
      %dma_wait3A_432 = arith.constant 0 : i32
      %dma_wait3A_433 = tpu.memref_slice %arg2[%add3A_425, %dma_wait3A_432] : memref<24576x1024xf32, #tpu.memory_space<hbm>> -> memref<16x1024xf32, #tpu.memory_space<hbm>>
      %dma_wait3A_434 = tpu.memref_slice %arg8[%dma_wait3A_427] : memref<4x!tpu.dma_semaphore, #tpu.memory_space<semaphore_mem>> -> memref<1x!tpu.dma_semaphore, #tpu.memory_space<semaphore_mem>>
      %dma_wait3A_435 = tpu.memref_squeeze %dma_wait3A_434 : memref<1x!tpu.dma_semaphore, #tpu.memory_space<semaphore_mem>> -> memref<!tpu.dma_semaphore, #tpu.memory_space<semaphore_mem>>
      %dma_wait3A_436 = arith.constant 0 : i32
      %dma_wait3A_437 = arith.constant 0 : i32
      %dma_wait3A_438 = tpu.memref_slice %arg6[%dma_wait3A_426, %dma_wait3A_436, %dma_wait3A_437] : memref<4x16x1024xf32, #tpu.memory_space<vmem>> -> memref<1x16x1024xf32, #tpu.memory_space<vmem>>
      %dma_wait3A_439 = tpu.memref_squeeze %dma_wait3A_438 : memref<1x16x1024xf32, #tpu.memory_space<vmem>> -> memref<16x1024xf32, #tpu.memory_space<vmem>>
      %dma_wait3A_440 = arith.constant 0 : i32
      %dma_wait3A_441 = tpu.memref_slice %arg2[%add3A_425, %dma_wait3A_440] : memref<24576x1024xf32, #tpu.memory_space<hbm>> -> memref<16x1024xf32, #tpu.memory_space<hbm>>
      tpu.wait_dma2 semaphore(%dma_wait3A_435 : memref<!tpu.dma_semaphore, #tpu.memory_space<semaphore_mem>>) src(%dma_wait3A_441 : memref<16x1024xf32, #tpu.memory_space<hbm>>) dst(%dma_wait3A_439 : memref<16x1024xf32, #tpu.memory_space<vmem>>)
      %parallel_loop3A_442 = arith.constant 0 : i32
      %parallel_loop3A_443 = arith.constant 1024 : i32
      %parallel_loop3A_444 = arith.constant 1 : i32
      scf.for %parallel_loop3A_741 = %parallel_loop3A_442 to %parallel_loop3A_443 step %parallel_loop3A_444  : i32 {
        %parallel_loop3A_742 = arith.constant 64 : i32
        %parallel_loop3A_743 = arith.divsi %parallel_loop3A_741, %parallel_loop3A_742 : i32
        %parallel_loop3A_744 = arith.constant 0 : i32
        %parallel_loop3A_745 = arith.cmpi sgt, %parallel_loop3A_741, %parallel_loop3A_744 : i32
        %parallel_loop3A_746 = arith.extui %parallel_loop3A_745 : i1 to i32
        %parallel_loop3A_747 = arith.constant 0 : i32
        %parallel_loop3A_748 = arith.cmpi slt, %parallel_loop3A_741, %parallel_loop3A_747 : i32
        %parallel_loop3A_749 = arith.extui %parallel_loop3A_748 : i1 to i32
        %parallel_loop3A_750 = arith.subi %parallel_loop3A_746, %parallel_loop3A_749 : i32
        %parallel_loop3A_751 = arith.constant 0 : i32
        %parallel_loop3A_752 = arith.cmpi sgt, %parallel_loop3A_742, %parallel_loop3A_751 : i32
        %parallel_loop3A_753 = arith.extui %parallel_loop3A_752 : i1 to i32
        %parallel_loop3A_754 = arith.constant 0 : i32
        %parallel_loop3A_755 = arith.cmpi slt, %parallel_loop3A_742, %parallel_loop3A_754 : i32
        %parallel_loop3A_756 = arith.extui %parallel_loop3A_755 : i1 to i32
        %parallel_loop3A_757 = arith.subi %parallel_loop3A_753, %parallel_loop3A_756 : i32
        %parallel_loop3A_758 = arith.cmpi ne, %parallel_loop3A_750, %parallel_loop3A_757 : i32
        %parallel_loop3A_759 = arith.remsi %parallel_loop3A_741, %parallel_loop3A_742 : i32
        %parallel_loop3A_760 = arith.constant 0 : i32
        %parallel_loop3A_761 = arith.cmpi ne, %parallel_loop3A_759, %parallel_loop3A_760 : i32
        %parallel_loop3A_762 = arith.andi %parallel_loop3A_758, %parallel_loop3A_761 : i1
        %parallel_loop3A_763 = arith.constant 1 : i32
        %parallel_loop3A_764 = arith.subi %parallel_loop3A_743, %parallel_loop3A_763 : i32
        %parallel_loop3A_765 = arith.select %parallel_loop3A_762, %parallel_loop3A_764, %parallel_loop3A_743 : i32
        %parallel_loop3A_766 = arith.constant 64 : i32
        %parallel_loop3A_767 = arith.constant 0 : i32
        %parallel_loop3A_768 = arith.cmpi eq, %parallel_loop3A_766, %parallel_loop3A_767 : i32
        %parallel_loop3A_769 = arith.constant 1 : i32
        %parallel_loop3A_770 = arith.select %parallel_loop3A_768, %parallel_loop3A_769, %parallel_loop3A_766 : i32
        %parallel_loop3A_771 = arith.remsi %parallel_loop3A_741, %parallel_loop3A_770 : i32
        %parallel_loop3A_772 = arith.constant 0 : i32
        %parallel_loop3A_773 = arith.cmpi ne, %parallel_loop3A_771, %parallel_loop3A_772 : i32
        %parallel_loop3A_774 = arith.constant 0 : i32
        %parallel_loop3A_775 = arith.cmpi slt, %parallel_loop3A_771, %parallel_loop3A_774 : i32
        %parallel_loop3A_776 = arith.constant 0 : i32
        %parallel_loop3A_777 = arith.cmpi slt, %parallel_loop3A_770, %parallel_loop3A_776 : i32
        %parallel_loop3A_778 = arith.xori %parallel_loop3A_775, %parallel_loop3A_777 : i1
        %parallel_loop3A_779 = arith.andi %parallel_loop3A_778, %parallel_loop3A_773 : i1
        %parallel_loop3A_780 = arith.addi %parallel_loop3A_771, %parallel_loop3A_770 : i32
        %parallel_loop3A_781 = arith.select %parallel_loop3A_779, %parallel_loop3A_780, %parallel_loop3A_771 : i32
        %parallel_loop3A_782 = arith.constant 16 : i32
        %parallel_loop3A_783 = arith.muli %parallel_loop3A_781, %parallel_loop3A_782 : i32
        %parallel_loop3A_784 = arith.constant 0 : i32
        %parallel_loop3A_785 = arith.index_cast %parallel_loop3A_784 : i32 to index
        %parallel_loop3A_786 = arith.index_cast %parallel_loop3A_765 : i32 to index
        %parallel_loop3A_787 = arith.index_cast %parallel_loop3A_783 : i32 to index
        %parallel_loop3A_788 = tpu.vector_load %arg6[%parallel_loop3A_785, %parallel_loop3A_786, %parallel_loop3A_787] {strides = array<i32>} : memref<4x16x1024xf32, #tpu.memory_space<vmem>>, vector<1x1x16xf32>,
        %parallel_loop3A_789 = vector.shape_cast %parallel_loop3A_788 : vector<1x1x16xf32> to vector<16xf32>
        %parallel_loop3A_790 = arith.index_cast %rem3A_125 : i32 to index
        %parallel_loop3A_791 = arith.index_cast %parallel_loop3A_765 : i32 to index
        %parallel_loop3A_792 = arith.index_cast %parallel_loop3A_783 : i32 to index
        %parallel_loop3A_793 = tpu.vector_load %arg5[%parallel_loop3A_790, %parallel_loop3A_791, %parallel_loop3A_792] {strides = array<i32>} : memref<2x16x1024xf32, #tpu.memory_space<vmem>>, vector<1x1x16xf32>,
        %parallel_loop3A_794 = vector.shape_cast %parallel_loop3A_793 : vector<1x1x16xf32> to vector<16xf32>
        %parallel_loop3A_795 = arith.addf %parallel_loop3A_789, %parallel_loop3A_794 : vector<16xf32>
        %parallel_loop3A_796 = arith.constant 0 : i32
        %parallel_loop3A_797 = arith.index_cast %parallel_loop3A_796 : i32 to index
        %parallel_loop3A_798 = arith.index_cast %parallel_loop3A_765 : i32 to index
        %parallel_loop3A_799 = arith.index_cast %parallel_loop3A_783 : i32 to index
        %parallel_loop3A_800 = tpu.vector_load %arg6[%parallel_loop3A_797, %parallel_loop3A_798, %parallel_loop3A_799] {strides = array<i32>} : memref<4x16x1024xf32, #tpu.memory_space<vmem>>, vector<1x1x16xf32>,
        %parallel_loop3A_801 = vector.shape_cast %parallel_loop3A_800 : vector<1x1x16xf32> to vector<16xf32>
        %parallel_loop3A_802 = vector.shape_cast %parallel_loop3A_795 : vector<16xf32> to vector<1x1x16xf32>
        tpu.vector_store %arg6[%parallel_loop3A_797, %parallel_loop3A_798, %parallel_loop3A_799], %parallel_loop3A_802 {strides = array<i32>} : memref<4x16x1024xf32, #tpu.memory_space<vmem>>, vector<1x1x16xf32>,
      } {sc.loop_unroll_factor = 8 : i64, sc.parallel_access}
      %add3A_445 = arith.constant 384 : i32
      %add3A_446 = arith.addi %mul3A_4, %add3A_445 : i32
      %mul3A_447 = arith.constant 16 : i32
      %mul3A_448 = arith.muli %scan3A_124, %mul3A_447 : i32
      %add3A_449 = arith.addi %add3A_446, %mul3A_448 : i32
      %dma_start3A_450 = arith.constant 0 : i32
      %dma_start3A_451 = arith.constant 0 : i32
      %dma_start3A_452 = arith.constant 0 : i32
      %dma_start3A_453 = arith.constant 0 : i32
      %dma_start3A_454 = tpu.memref_slice %arg6[%dma_start3A_450, %dma_start3A_452, %dma_start3A_453] : memref<4x16x1024xf32, #tpu.memory_space<vmem>> -> memref<1x16x1024xf32, #tpu.memory_space<vmem>>
      %dma_start3A_455 = tpu.memref_squeeze %dma_start3A_454 : memref<1x16x1024xf32, #tpu.memory_space<vmem>> -> memref<16x1024xf32, #tpu.memory_space<vmem>>
      %dma_start3A_456 = arith.constant 0 : i32
      %dma_start3A_457 = tpu.memref_slice %arg4[%add3A_449, %dma_start3A_456] : memref<24576x1024xf32, #tpu.memory_space<hbm>> -> memref<16x1024xf32, #tpu.memory_space<hbm>>
      %dma_start3A_458 = tpu.memref_slice %arg9[%dma_start3A_451] : memref<4x!tpu.dma_semaphore, #tpu.memory_space<semaphore_mem>> -> memref<1x!tpu.dma_semaphore, #tpu.memory_space<semaphore_mem>>
      %dma_start3A_459 = tpu.memref_squeeze %dma_start3A_458 : memref<1x!tpu.dma_semaphore, #tpu.memory_space<semaphore_mem>> -> memref<!tpu.dma_semaphore, #tpu.memory_space<semaphore_mem>>
      %dma_start3A_460 = arith.constant 0 : i32
      %dma_start3A_461 = tpu.memref_slice %arg4[%add3A_449, %dma_start3A_460] : memref<24576x1024xf32, #tpu.memory_space<hbm>> -> memref<16x1024xf32, #tpu.memory_space<hbm>>
      %dma_start3A_462 = arith.constant 0 : i32
      %dma_start3A_463 = arith.constant 0 : i32
      %dma_start3A_464 = tpu.memref_slice %arg6[%dma_start3A_450, %dma_start3A_462, %dma_start3A_463] : memref<4x16x1024xf32, #tpu.memory_space<vmem>> -> memref<1x16x1024xf32, #tpu.memory_space<vmem>>
      %dma_start3A_465 = tpu.memref_squeeze %dma_start3A_464 : memref<1x16x1024xf32, #tpu.memory_space<vmem>> -> memref<16x1024xf32, #tpu.memory_space<vmem>>
      tpu.enqueue_dma source(%dma_start3A_465 : memref<16x1024xf32, #tpu.memory_space<vmem>>) target(%dma_start3A_461 : memref<16x1024xf32, #tpu.memory_space<hbm>>) target_semaphore(%dma_start3A_459 : memref<!tpu.dma_semaphore, #tpu.memory_space<semaphore_mem>>)
      %add3A_466 = arith.constant 192 : i32
      %add3A_467 = arith.addi %mul3A_4, %add3A_466 : i32
      %mul3A_468 = arith.constant 16 : i32
      %mul3A_469 = arith.muli %scan3A_124, %mul3A_468 : i32
      %add3A_470 = arith.addi %add3A_467, %mul3A_469 : i32
      %dma_wait3A_471 = arith.constant 2 : i32
      %dma_wait3A_472 = arith.constant 2 : i32
      %dma_wait3A_473 = arith.constant 0 : i32
      %dma_wait3A_474 = arith.constant 0 : i32
      %dma_wait3A_475 = tpu.memref_slice %arg6[%dma_wait3A_471, %dma_wait3A_473, %dma_wait3A_474] : memref<4x16x1024xf32, #tpu.memory_space<vmem>> -> memref<1x16x1024xf32, #tpu.memory_space<vmem>>
      %dma_wait3A_476 = tpu.memref_squeeze %dma_wait3A_475 : memref<1x16x1024xf32, #tpu.memory_space<vmem>> -> memref<16x1024xf32, #tpu.memory_space<vmem>>
      %dma_wait3A_477 = arith.constant 0 : i32
      %dma_wait3A_478 = tpu.memref_slice %arg4[%add3A_470, %dma_wait3A_477] : memref<24576x1024xf32, #tpu.memory_space<hbm>> -> memref<16x1024xf32, #tpu.memory_space<hbm>>
      %dma_wait3A_479 = tpu.memref_slice %arg9[%dma_wait3A_472] : memref<4x!tpu.dma_semaphore, #tpu.memory_space<semaphore_mem>> -> memref<1x!tpu.dma_semaphore, #tpu.memory_space<semaphore_mem>>
      %dma_wait3A_480 = tpu.memref_squeeze %dma_wait3A_479 : memref<1x!tpu.dma_semaphore, #tpu.memory_space<semaphore_mem>> -> memref<!tpu.dma_semaphore, #tpu.memory_space<semaphore_mem>>
      %dma_wait3A_481 = arith.constant 0 : i32
      %dma_wait3A_482 = tpu.memref_slice %arg4[%add3A_470, %dma_wait3A_481] : memref<24576x1024xf32, #tpu.memory_space<hbm>> -> memref<16x1024xf32, #tpu.memory_space<hbm>>
      %dma_wait3A_483 = arith.constant 0 : i32
      %dma_wait3A_484 = arith.constant 0 : i32
      %dma_wait3A_485 = tpu.memref_slice %arg6[%dma_wait3A_471, %dma_wait3A_483, %dma_wait3A_484] : memref<4x16x1024xf32, #tpu.memory_space<vmem>> -> memref<1x16x1024xf32, #tpu.memory_space<vmem>>
      %dma_wait3A_486 = tpu.memref_squeeze %dma_wait3A_485 : memref<1x16x1024xf32, #tpu.memory_space<vmem>> -> memref<16x1024xf32, #tpu.memory_space<vmem>>
      tpu.wait_dma2 semaphore(%dma_wait3A_480 : memref<!tpu.dma_semaphore, #tpu.memory_space<semaphore_mem>>) src(%dma_wait3A_486 : memref<16x1024xf32, #tpu.memory_space<vmem>>) dst(%dma_wait3A_482 : memref<16x1024xf32, #tpu.memory_space<hbm>>)
      %add3A_487 = arith.constant 576 : i32
      %add3A_488 = arith.addi %mul3A_4, %add3A_487 : i32
      %mul3A_489 = arith.constant 16 : i32
      %mul3A_490 = arith.muli %scan3A_124, %mul3A_489 : i32
      %add3A_491 = arith.addi %add3A_488, %mul3A_490 : i32
      %dma_start3A_492 = arith.constant 2 : i32
      %dma_start3A_493 = arith.constant 2 : i32
      %dma_start3A_494 = arith.constant 0 : i32
      %dma_start3A_495 = arith.constant 0 : i32
      %dma_start3A_496 = tpu.memref_slice %arg6[%dma_start3A_492, %dma_start3A_494, %dma_start3A_495] : memref<4x16x1024xf32, #tpu.memory_space<vmem>> -> memref<1x16x1024xf32, #tpu.memory_space<vmem>>
      %dma_start3A_497 = tpu.memref_squeeze %dma_start3A_496 : memref<1x16x1024xf32, #tpu.memory_space<vmem>> -> memref<16x1024xf32, #tpu.memory_space<vmem>>
      %dma_start3A_498 = arith.constant 0 : i32
      %dma_start3A_499 = tpu.memref_slice %arg2[%add3A_491, %dma_start3A_498] : memref<24576x1024xf32, #tpu.memory_space<hbm>> -> memref<16x1024xf32, #tpu.memory_space<hbm>>
      %dma_start3A_500 = tpu.memref_slice %arg8[%dma_start3A_493] : memref<4x!tpu.dma_semaphore, #tpu.memory_space<semaphore_mem>> -> memref<1x!tpu.dma_semaphore, #tpu.memory_space<semaphore_mem>>
      %dma_start3A_501 = tpu.memref_squeeze %dma_start3A_500 : memref<1x!tpu.dma_semaphore, #tpu.memory_space<semaphore_mem>> -> memref<!tpu.dma_semaphore, #tpu.memory_space<semaphore_mem>>
      %dma_start3A_502 = arith.constant 0 : i32
      %dma_start3A_503 = arith.constant 0 : i32
      %dma_start3A_504 = tpu.memref_slice %arg6[%dma_start3A_492, %dma_start3A_502, %dma_start3A_503] : memref<4x16x1024xf32, #tpu.memory_space<vmem>> -> memref<1x16x1024xf32, #tpu.memory_space<vmem>>
      %dma_start3A_505 = tpu.memref_squeeze %dma_start3A_504 : memref<1x16x1024xf32, #tpu.memory_space<vmem>> -> memref<16x1024xf32, #tpu.memory_space<vmem>>
      %dma_start3A_506 = arith.constant 0 : i32
      %dma_start3A_507 = tpu.memref_slice %arg2[%add3A_491, %dma_start3A_506] : memref<24576x1024xf32, #tpu.memory_space<hbm>> -> memref<16x1024xf32, #tpu.memory_space<hbm>>
      tpu.enqueue_dma source(%dma_start3A_507 : memref<16x1024xf32, #tpu.memory_space<hbm>>) target(%dma_start3A_505 : memref<16x1024xf32, #tpu.memory_space<vmem>>) target_semaphore(%dma_start3A_501 : memref<!tpu.dma_semaphore, #tpu.memory_space<semaphore_mem>>)
      %add3A_508 = arith.constant 480 : i32
      %add3A_509 = arith.addi %mul3A_4, %add3A_508 : i32
      %mul3A_510 = arith.constant 16 : i32
      %mul3A_511 = arith.muli %scan3A_124, %mul3A_510 : i32
      %add3A_512 = arith.addi %add3A_509, %mul3A_511 : i32
      %dma_wait3A_513 = arith.constant 1 : i32
      %dma_wait3A_514 = arith.constant 1 : i32
      %dma_wait3A_515 = arith.constant 0 : i32
      %dma_wait3A_516 = arith.constant 0 : i32
      %dma_wait3A_517 = tpu.memref_slice %arg6[%dma_wait3A_513, %dma_wait3A_515, %dma_wait3A_516] : memref<4x16x1024xf32, #tpu.memory_space<vmem>> -> memref<1x16x1024xf32, #tpu.memory_space<vmem>>
      %dma_wait3A_518 = tpu.memref_squeeze %dma_wait3A_517 : memref<1x16x1024xf32, #tpu.memory_space<vmem>> -> memref<16x1024xf32, #tpu.memory_space<vmem>>
      %dma_wait3A_519 = arith.constant 0 : i32
      %dma_wait3A_520 = tpu.memref_slice %arg2[%add3A_512, %dma_wait3A_519] : memref<24576x1024xf32, #tpu.memory_space<hbm>> -> memref<16x1024xf32, #tpu.memory_space<hbm>>
      %dma_wait3A_521 = tpu.memref_slice %arg8[%dma_wait3A_514] : memref<4x!tpu.dma_semaphore, #tpu.memory_space<semaphore_mem>> -> memref<1x!tpu.dma_semaphore, #tpu.memory_space<semaphore_mem>>
      %dma_wait3A_522 = tpu.memref_squeeze %dma_wait3A_521 : memref<1x!tpu.dma_semaphore, #tpu.memory_space<semaphore_mem>> -> memref<!tpu.dma_semaphore, #tpu.memory_space<semaphore_mem>>
      %dma_wait3A_523 = arith.constant 0 : i32
      %dma_wait3A_524 = arith.constant 0 : i32
      %dma_wait3A_525 = tpu.memref_slice %arg6[%dma_wait3A_513, %dma_wait3A_523, %dma_wait3A_524] : memref<4x16x1024xf32, #tpu.memory_space<vmem>> -> memref<1x16x1024xf32, #tpu.memory_space<vmem>>
      %dma_wait3A_526 = tpu.memref_squeeze %dma_wait3A_525 : memref<1x16x1024xf32, #tpu.memory_space<vmem>> -> memref<16x1024xf32, #tpu.memory_space<vmem>>
      %dma_wait3A_527 = arith.constant 0 : i32
      %dma_wait3A_528 = tpu.memref_slice %arg2[%add3A_512, %dma_wait3A_527] : memref<24576x1024xf32, #tpu.memory_space<hbm>> -> memref<16x1024xf32, #tpu.memory_space<hbm>>
      tpu.wait_dma2 semaphore(%dma_wait3A_522 : memref<!tpu.dma_semaphore, #tpu.memory_space<semaphore_mem>>) src(%dma_wait3A_528 : memref<16x1024xf32, #tpu.memory_space<hbm>>) dst(%dma_wait3A_526 : memref<16x1024xf32, #tpu.memory_space<vmem>>)
      %parallel_loop3A_529 = arith.constant 0 : i32
      %parallel_loop3A_530 = arith.constant 1024 : i32
      %parallel_loop3A_531 = arith.constant 1 : i32
      scf.for %parallel_loop3A_741 = %parallel_loop3A_529 to %parallel_loop3A_530 step %parallel_loop3A_531  : i32 {
        %parallel_loop3A_742 = arith.constant 64 : i32
        %parallel_loop3A_743 = arith.divsi %parallel_loop3A_741, %parallel_loop3A_742 : i32
        %parallel_loop3A_744 = arith.constant 0 : i32
        %parallel_loop3A_745 = arith.cmpi sgt, %parallel_loop3A_741, %parallel_loop3A_744 : i32
        %parallel_loop3A_746 = arith.extui %parallel_loop3A_745 : i1 to i32
        %parallel_loop3A_747 = arith.constant 0 : i32
        %parallel_loop3A_748 = arith.cmpi slt, %parallel_loop3A_741, %parallel_loop3A_747 : i32
        %parallel_loop3A_749 = arith.extui %parallel_loop3A_748 : i1 to i32
        %parallel_loop3A_750 = arith.subi %parallel_loop3A_746, %parallel_loop3A_749 : i32
        %parallel_loop3A_751 = arith.constant 0 : i32
        %parallel_loop3A_752 = arith.cmpi sgt, %parallel_loop3A_742, %parallel_loop3A_751 : i32
        %parallel_loop3A_753 = arith.extui %parallel_loop3A_752 : i1 to i32
        %parallel_loop3A_754 = arith.constant 0 : i32
        %parallel_loop3A_755 = arith.cmpi slt, %parallel_loop3A_742, %parallel_loop3A_754 : i32
        %parallel_loop3A_756 = arith.extui %parallel_loop3A_755 : i1 to i32
        %parallel_loop3A_757 = arith.subi %parallel_loop3A_753, %parallel_loop3A_756 : i32
        %parallel_loop3A_758 = arith.cmpi ne, %parallel_loop3A_750, %parallel_loop3A_757 : i32
        %parallel_loop3A_759 = arith.remsi %parallel_loop3A_741, %parallel_loop3A_742 : i32
        %parallel_loop3A_760 = arith.constant 0 : i32
        %parallel_loop3A_761 = arith.cmpi ne, %parallel_loop3A_759, %parallel_loop3A_760 : i32
        %parallel_loop3A_762 = arith.andi %parallel_loop3A_758, %parallel_loop3A_761 : i1
        %parallel_loop3A_763 = arith.constant 1 : i32
        %parallel_loop3A_764 = arith.subi %parallel_loop3A_743, %parallel_loop3A_763 : i32
        %parallel_loop3A_765 = arith.select %parallel_loop3A_762, %parallel_loop3A_764, %parallel_loop3A_743 : i32
        %parallel_loop3A_766 = arith.constant 64 : i32
        %parallel_loop3A_767 = arith.constant 0 : i32
        %parallel_loop3A_768 = arith.cmpi eq, %parallel_loop3A_766, %parallel_loop3A_767 : i32
        %parallel_loop3A_769 = arith.constant 1 : i32
        %parallel_loop3A_770 = arith.select %parallel_loop3A_768, %parallel_loop3A_769, %parallel_loop3A_766 : i32
        %parallel_loop3A_771 = arith.remsi %parallel_loop3A_741, %parallel_loop3A_770 : i32
        %parallel_loop3A_772 = arith.constant 0 : i32
        %parallel_loop3A_773 = arith.cmpi ne, %parallel_loop3A_771, %parallel_loop3A_772 : i32
        %parallel_loop3A_774 = arith.constant 0 : i32
        %parallel_loop3A_775 = arith.cmpi slt, %parallel_loop3A_771, %parallel_loop3A_774 : i32
        %parallel_loop3A_776 = arith.constant 0 : i32
        %parallel_loop3A_777 = arith.cmpi slt, %parallel_loop3A_770, %parallel_loop3A_776 : i32
        %parallel_loop3A_778 = arith.xori %parallel_loop3A_775, %parallel_loop3A_777 : i1
        %parallel_loop3A_779 = arith.andi %parallel_loop3A_778, %parallel_loop3A_773 : i1
        %parallel_loop3A_780 = arith.addi %parallel_loop3A_771, %parallel_loop3A_770 : i32
        %parallel_loop3A_781 = arith.select %parallel_loop3A_779, %parallel_loop3A_780, %parallel_loop3A_771 : i32
        %parallel_loop3A_782 = arith.constant 16 : i32
        %parallel_loop3A_783 = arith.muli %parallel_loop3A_781, %parallel_loop3A_782 : i32
        %parallel_loop3A_784 = arith.constant 1 : i32
        %parallel_loop3A_785 = arith.index_cast %parallel_loop3A_784 : i32 to index
        %parallel_loop3A_786 = arith.index_cast %parallel_loop3A_765 : i32 to index
        %parallel_loop3A_787 = arith.index_cast %parallel_loop3A_783 : i32 to index
        %parallel_loop3A_788 = tpu.vector_load %arg6[%parallel_loop3A_785, %parallel_loop3A_786, %parallel_loop3A_787] {strides = array<i32>} : memref<4x16x1024xf32, #tpu.memory_space<vmem>>, vector<1x1x16xf32>,
        %parallel_loop3A_789 = vector.shape_cast %parallel_loop3A_788 : vector<1x1x16xf32> to vector<16xf32>
        %parallel_loop3A_790 = arith.index_cast %rem3A_125 : i32 to index
        %parallel_loop3A_791 = arith.index_cast %parallel_loop3A_765 : i32 to index
        %parallel_loop3A_792 = arith.index_cast %parallel_loop3A_783 : i32 to index
        %parallel_loop3A_793 = tpu.vector_load %arg5[%parallel_loop3A_790, %parallel_loop3A_791, %parallel_loop3A_792] {strides = array<i32>} : memref<2x16x1024xf32, #tpu.memory_space<vmem>>, vector<1x1x16xf32>,
        %parallel_loop3A_794 = vector.shape_cast %parallel_loop3A_793 : vector<1x1x16xf32> to vector<16xf32>
        %parallel_loop3A_795 = arith.addf %parallel_loop3A_789, %parallel_loop3A_794 : vector<16xf32>
        %parallel_loop3A_796 = arith.constant 1 : i32
        %parallel_loop3A_797 = arith.index_cast %parallel_loop3A_796 : i32 to index
        %parallel_loop3A_798 = arith.index_cast %parallel_loop3A_765 : i32 to index
        %parallel_loop3A_799 = arith.index_cast %parallel_loop3A_783 : i32 to index
        %parallel_loop3A_800 = tpu.vector_load %arg6[%parallel_loop3A_797, %parallel_loop3A_798, %parallel_loop3A_799] {strides = array<i32>} : memref<4x16x1024xf32, #tpu.memory_space<vmem>>, vector<1x1x16xf32>,
        %parallel_loop3A_801 = vector.shape_cast %parallel_loop3A_800 : vector<1x1x16xf32> to vector<16xf32>
        %parallel_loop3A_802 = vector.shape_cast %parallel_loop3A_795 : vector<16xf32> to vector<1x1x16xf32>
        tpu.vector_store %arg6[%parallel_loop3A_797, %parallel_loop3A_798, %parallel_loop3A_799], %parallel_loop3A_802 {strides = array<i32>} : memref<4x16x1024xf32, #tpu.memory_space<vmem>>, vector<1x1x16xf32>,
      } {sc.loop_unroll_factor = 8 : i64, sc.parallel_access}
      %add3A_532 = arith.constant 480 : i32
      %add3A_533 = arith.addi %mul3A_4, %add3A_532 : i32
      %mul3A_534 = arith.constant 16 : i32
      %mul3A_535 = arith.muli %scan3A_124, %mul3A_534 : i32
      %add3A_536 = arith.addi %add3A_533, %mul3A_535 : i32
      %dma_start3A_537 = arith.constant 1 : i32
      %dma_start3A_538 = arith.constant 1 : i32
      %dma_start3A_539 = arith.constant 0 : i32
      %dma_start3A_540 = arith.constant 0 : i32
      %dma_start3A_541 = tpu.memref_slice %arg6[%dma_start3A_537, %dma_start3A_539, %dma_start3A_540] : memref<4x16x1024xf32, #tpu.memory_space<vmem>> -> memref<1x16x1024xf32, #tpu.memory_space<vmem>>
      %dma_start3A_542 = tpu.memref_squeeze %dma_start3A_541 : memref<1x16x1024xf32, #tpu.memory_space<vmem>> -> memref<16x1024xf32, #tpu.memory_space<vmem>>
      %dma_start3A_543 = arith.constant 0 : i32
      %dma_start3A_544 = tpu.memref_slice %arg4[%add3A_536, %dma_start3A_543] : memref<24576x1024xf32, #tpu.memory_space<hbm>> -> memref<16x1024xf32, #tpu.memory_space<hbm>>
      %dma_start3A_545 = tpu.memref_slice %arg9[%dma_start3A_538] : memref<4x!tpu.dma_semaphore, #tpu.memory_space<semaphore_mem>> -> memref<1x!tpu.dma_semaphore, #tpu.memory_space<semaphore_mem>>
      %dma_start3A_546 = tpu.memref_squeeze %dma_start3A_545 : memref<1x!tpu.dma_semaphore, #tpu.memory_space<semaphore_mem>> -> memref<!tpu.dma_semaphore, #tpu.memory_space<semaphore_mem>>
      %dma_start3A_547 = arith.constant 0 : i32
      %dma_start3A_548 = tpu.memref_slice %arg4[%add3A_536, %dma_start3A_547] : memref<24576x1024xf32, #tpu.memory_space<hbm>> -> memref<16x1024xf32, #tpu.memory_space<hbm>>
      %dma_start3A_549 = arith.constant 0 : i32
      %dma_start3A_550 = arith.constant 0 : i32
      %dma_start3A_551 = tpu.memref_slice %arg6[%dma_start3A_537, %dma_start3A_549, %dma_start3A_550] : memref<4x16x1024xf32, #tpu.memory_space<vmem>> -> memref<1x16x1024xf32, #tpu.memory_space<vmem>>
      %dma_start3A_552 = tpu.memref_squeeze %dma_start3A_551 : memref<1x16x1024xf32, #tpu.memory_space<vmem>> -> memref<16x1024xf32, #tpu.memory_space<vmem>>
      tpu.enqueue_dma source(%dma_start3A_552 : memref<16x1024xf32, #tpu.memory_space<vmem>>) target(%dma_start3A_548 : memref<16x1024xf32, #tpu.memory_space<hbm>>) target_semaphore(%dma_start3A_546 : memref<!tpu.dma_semaphore, #tpu.memory_space<semaphore_mem>>)
      %add3A_553 = arith.constant 288 : i32
      %add3A_554 = arith.addi %mul3A_4, %add3A_553 : i32
      %mul3A_555 = arith.constant 16 : i32
      %mul3A_556 = arith.muli %scan3A_124, %mul3A_555 : i32
      %add3A_557 = arith.addi %add3A_554, %mul3A_556 : i32
      %dma_wait3A_558 = arith.constant 3 : i32
      %dma_wait3A_559 = arith.constant 3 : i32
      %dma_wait3A_560 = arith.constant 0 : i32
      %dma_wait3A_561 = arith.constant 0 : i32
      %dma_wait3A_562 = tpu.memref_slice %arg6[%dma_wait3A_558, %dma_wait3A_560, %dma_wait3A_561] : memref<4x16x1024xf32, #tpu.memory_space<vmem>> -> memref<1x16x1024xf32, #tpu.memory_space<vmem>>
      %dma_wait3A_563 = tpu.memref_squeeze %dma_wait3A_562 : memref<1x16x1024xf32, #tpu.memory_space<vmem>> -> memref<16x1024xf32, #tpu.memory_space<vmem>>
      %dma_wait3A_564 = arith.constant 0 : i32
      %dma_wait3A_565 = tpu.memref_slice %arg4[%add3A_557, %dma_wait3A_564] : memref<24576x1024xf32, #tpu.memory_space<hbm>> -> memref<16x1024xf32, #tpu.memory_space<hbm>>
      %dma_wait3A_566 = tpu.memref_slice %arg9[%dma_wait3A_559] : memref<4x!tpu.dma_semaphore, #tpu.memory_space<semaphore_mem>> -> memref<1x!tpu.dma_semaphore, #tpu.memory_space<semaphore_mem>>
      %dma_wait3A_567 = tpu.memref_squeeze %dma_wait3A_566 : memref<1x!tpu.dma_semaphore, #tpu.memory_space<semaphore_mem>> -> memref<!tpu.dma_semaphore, #tpu.memory_space<semaphore_mem>>
      %dma_wait3A_568 = arith.constant 0 : i32
      %dma_wait3A_569 = tpu.memref_slice %arg4[%add3A_557, %dma_wait3A_568] : memref<24576x1024xf32, #tpu.memory_space<hbm>> -> memref<16x1024xf32, #tpu.memory_space<hbm>>
      %dma_wait3A_570 = arith.constant 0 : i32
      %dma_wait3A_571 = arith.constant 0 : i32
      %dma_wait3A_572 = tpu.memref_slice %arg6[%dma_wait3A_558, %dma_wait3A_570, %dma_wait3A_571] : memref<4x16x1024xf32, #tpu.memory_space<vmem>> -> memref<1x16x1024xf32, #tpu.memory_space<vmem>>
      %dma_wait3A_573 = tpu.memref_squeeze %dma_wait3A_572 : memref<1x16x1024xf32, #tpu.memory_space<vmem>> -> memref<16x1024xf32, #tpu.memory_space<vmem>>
      tpu.wait_dma2 semaphore(%dma_wait3A_567 : memref<!tpu.dma_semaphore, #tpu.memory_space<semaphore_mem>>) src(%dma_wait3A_573 : memref<16x1024xf32, #tpu.memory_space<vmem>>) dst(%dma_wait3A_569 : memref<16x1024xf32, #tpu.memory_space<hbm>>)
      %add3A_574 = arith.constant 672 : i32
      %add3A_575 = arith.addi %mul3A_4, %add3A_574 : i32
      %mul3A_576 = arith.constant 16 : i32
      %mul3A_577 = arith.muli %scan3A_124, %mul3A_576 : i32
      %add3A_578 = arith.addi %add3A_575, %mul3A_577 : i32
      %dma_start3A_579 = arith.constant 3 : i32
      %dma_start3A_580 = arith.constant 3 : i32
      %dma_start3A_581 = arith.constant 0 : i32
      %dma_start3A_582 = arith.constant 0 : i32
      %dma_start3A_583 = tpu.memref_slice %arg6[%dma_start3A_579, %dma_start3A_581, %dma_start3A_582] : memref<4x16x1024xf32, #tpu.memory_space<vmem>> -> memref<1x16x1024xf32, #tpu.memory_space<vmem>>
      %dma_start3A_584 = tpu.memref_squeeze %dma_start3A_583 : memref<1x16x1024xf32, #tpu.memory_space<vmem>> -> memref<16x1024xf32, #tpu.memory_space<vmem>>
      %dma_start3A_585 = arith.constant 0 : i32
      %dma_start3A_586 = tpu.memref_slice %arg2[%add3A_578, %dma_start3A_585] : memref<24576x1024xf32, #tpu.memory_space<hbm>> -> memref<16x1024xf32, #tpu.memory_space<hbm>>
      %dma_start3A_587 = tpu.memref_slice %arg8[%dma_start3A_580] : memref<4x!tpu.dma_semaphore, #tpu.memory_space<semaphore_mem>> -> memref<1x!tpu.dma_semaphore, #tpu.memory_space<semaphore_mem>>
      %dma_start3A_588 = tpu.memref_squeeze %dma_start3A_587 : memref<1x!tpu.dma_semaphore, #tpu.memory_space<semaphore_mem>> -> memref<!tpu.dma_semaphore, #tpu.memory_space<semaphore_mem>>
      %dma_start3A_589 = arith.constant 0 : i32
      %dma_start3A_590 = arith.constant 0 : i32
      %dma_start3A_591 = tpu.memref_slice %arg6[%dma_start3A_579, %dma_start3A_589, %dma_start3A_590] : memref<4x16x1024xf32, #tpu.memory_space<vmem>> -> memref<1x16x1024xf32, #tpu.memory_space<vmem>>
      %dma_start3A_592 = tpu.memref_squeeze %dma_start3A_591 : memref<1x16x1024xf32, #tpu.memory_space<vmem>> -> memref<16x1024xf32, #tpu.memory_space<vmem>>
      %dma_start3A_593 = arith.constant 0 : i32
      %dma_start3A_594 = tpu.memref_slice %arg2[%add3A_578, %dma_start3A_593] : memref<24576x1024xf32, #tpu.memory_space<hbm>> -> memref<16x1024xf32, #tpu.memory_space<hbm>>
      tpu.enqueue_dma source(%dma_start3A_594 : memref<16x1024xf32, #tpu.memory_space<hbm>>) target(%dma_start3A_592 : memref<16x1024xf32, #tpu.memory_space<vmem>>) target_semaphore(%dma_start3A_588 : memref<!tpu.dma_semaphore, #tpu.memory_space<semaphore_mem>>)
      %add3A_595 = arith.constant 576 : i32
      %add3A_596 = arith.addi %mul3A_4, %add3A_595 : i32
      %mul3A_597 = arith.constant 16 : i32
      %mul3A_598 = arith.muli %scan3A_124, %mul3A_597 : i32
      %add3A_599 = arith.addi %add3A_596, %mul3A_598 : i32
      %dma_wait3A_600 = arith.constant 2 : i32
      %dma_wait3A_601 = arith.constant 2 : i32
      %dma_wait3A_602 = arith.constant 0 : i32
      %dma_wait3A_603 = arith.constant 0 : i32
      %dma_wait3A_604 = tpu.memref_slice %arg6[%dma_wait3A_600, %dma_wait3A_602, %dma_wait3A_603] : memref<4x16x1024xf32, #tpu.memory_space<vmem>> -> memref<1x16x1024xf32, #tpu.memory_space<vmem>>
      %dma_wait3A_605 = tpu.memref_squeeze %dma_wait3A_604 : memref<1x16x1024xf32, #tpu.memory_space<vmem>> -> memref<16x1024xf32, #tpu.memory_space<vmem>>
      %dma_wait3A_606 = arith.constant 0 : i32
      %dma_wait3A_607 = tpu.memref_slice %arg2[%add3A_599, %dma_wait3A_606] : memref<24576x1024xf32, #tpu.memory_space<hbm>> -> memref<16x1024xf32, #tpu.memory_space<hbm>>
      %dma_wait3A_608 = tpu.memref_slice %arg8[%dma_wait3A_601] : memref<4x!tpu.dma_semaphore, #tpu.memory_space<semaphore_mem>> -> memref<1x!tpu.dma_semaphore, #tpu.memory_space<semaphore_mem>>
      %dma_wait3A_609 = tpu.memref_squeeze %dma_wait3A_608 : memref<1x!tpu.dma_semaphore, #tpu.memory_space<semaphore_mem>> -> memref<!tpu.dma_semaphore, #tpu.memory_space<semaphore_mem>>
      %dma_wait3A_610 = arith.constant 0 : i32
      %dma_wait3A_611 = arith.constant 0 : i32
      %dma_wait3A_612 = tpu.memref_slice %arg6[%dma_wait3A_600, %dma_wait3A_610, %dma_wait3A_611] : memref<4x16x1024xf32, #tpu.memory_space<vmem>> -> memref<1x16x1024xf32, #tpu.memory_space<vmem>>
      %dma_wait3A_613 = tpu.memref_squeeze %dma_wait3A_612 : memref<1x16x1024xf32, #tpu.memory_space<vmem>> -> memref<16x1024xf32, #tpu.memory_space<vmem>>
      %dma_wait3A_614 = arith.constant 0 : i32
      %dma_wait3A_615 = tpu.memref_slice %arg2[%add3A_599, %dma_wait3A_614] : memref<24576x1024xf32, #tpu.memory_space<hbm>> -> memref<16x1024xf32, #tpu.memory_space<hbm>>
      tpu.wait_dma2 semaphore(%dma_wait3A_609 : memref<!tpu.dma_semaphore, #tpu.memory_space<semaphore_mem>>) src(%dma_wait3A_615 : memref<16x1024xf32, #tpu.memory_space<hbm>>) dst(%dma_wait3A_613 : memref<16x1024xf32, #tpu.memory_space<vmem>>)
      %parallel_loop3A_616 = arith.constant 0 : i32
      %parallel_loop3A_617 = arith.constant 1024 : i32
      %parallel_loop3A_618 = arith.constant 1 : i32
      scf.for %parallel_loop3A_741 = %parallel_loop3A_616 to %parallel_loop3A_617 step %parallel_loop3A_618  : i32 {
        %parallel_loop3A_742 = arith.constant 64 : i32
        %parallel_loop3A_743 = arith.divsi %parallel_loop3A_741, %parallel_loop3A_742 : i32
        %parallel_loop3A_744 = arith.constant 0 : i32
        %parallel_loop3A_745 = arith.cmpi sgt, %parallel_loop3A_741, %parallel_loop3A_744 : i32
        %parallel_loop3A_746 = arith.extui %parallel_loop3A_745 : i1 to i32
        %parallel_loop3A_747 = arith.constant 0 : i32
        %parallel_loop3A_748 = arith.cmpi slt, %parallel_loop3A_741, %parallel_loop3A_747 : i32
        %parallel_loop3A_749 = arith.extui %parallel_loop3A_748 : i1 to i32
        %parallel_loop3A_750 = arith.subi %parallel_loop3A_746, %parallel_loop3A_749 : i32
        %parallel_loop3A_751 = arith.constant 0 : i32
        %parallel_loop3A_752 = arith.cmpi sgt, %parallel_loop3A_742, %parallel_loop3A_751 : i32
        %parallel_loop3A_753 = arith.extui %parallel_loop3A_752 : i1 to i32
        %parallel_loop3A_754 = arith.constant 0 : i32
        %parallel_loop3A_755 = arith.cmpi slt, %parallel_loop3A_742, %parallel_loop3A_754 : i32
        %parallel_loop3A_756 = arith.extui %parallel_loop3A_755 : i1 to i32
        %parallel_loop3A_757 = arith.subi %parallel_loop3A_753, %parallel_loop3A_756 : i32
        %parallel_loop3A_758 = arith.cmpi ne, %parallel_loop3A_750, %parallel_loop3A_757 : i32
        %parallel_loop3A_759 = arith.remsi %parallel_loop3A_741, %parallel_loop3A_742 : i32
        %parallel_loop3A_760 = arith.constant 0 : i32
        %parallel_loop3A_761 = arith.cmpi ne, %parallel_loop3A_759, %parallel_loop3A_760 : i32
        %parallel_loop3A_762 = arith.andi %parallel_loop3A_758, %parallel_loop3A_761 : i1
        %parallel_loop3A_763 = arith.constant 1 : i32
        %parallel_loop3A_764 = arith.subi %parallel_loop3A_743, %parallel_loop3A_763 : i32
        %parallel_loop3A_765 = arith.select %parallel_loop3A_762, %parallel_loop3A_764, %parallel_loop3A_743 : i32
        %parallel_loop3A_766 = arith.constant 64 : i32
        %parallel_loop3A_767 = arith.constant 0 : i32
        %parallel_loop3A_768 = arith.cmpi eq, %parallel_loop3A_766, %parallel_loop3A_767 : i32
        %parallel_loop3A_769 = arith.constant 1 : i32
        %parallel_loop3A_770 = arith.select %parallel_loop3A_768, %parallel_loop3A_769, %parallel_loop3A_766 : i32
        %parallel_loop3A_771 = arith.remsi %parallel_loop3A_741, %parallel_loop3A_770 : i32
        %parallel_loop3A_772 = arith.constant 0 : i32
        %parallel_loop3A_773 = arith.cmpi ne, %parallel_loop3A_771, %parallel_loop3A_772 : i32
        %parallel_loop3A_774 = arith.constant 0 : i32
        %parallel_loop3A_775 = arith.cmpi slt, %parallel_loop3A_771, %parallel_loop3A_774 : i32
        %parallel_loop3A_776 = arith.constant 0 : i32
        %parallel_loop3A_777 = arith.cmpi slt, %parallel_loop3A_770, %parallel_loop3A_776 : i32
        %parallel_loop3A_778 = arith.xori %parallel_loop3A_775, %parallel_loop3A_777 : i1
        %parallel_loop3A_779 = arith.andi %parallel_loop3A_778, %parallel_loop3A_773 : i1
        %parallel_loop3A_780 = arith.addi %parallel_loop3A_771, %parallel_loop3A_770 : i32
        %parallel_loop3A_781 = arith.select %parallel_loop3A_779, %parallel_loop3A_780, %parallel_loop3A_771 : i32
        %parallel_loop3A_782 = arith.constant 16 : i32
        %parallel_loop3A_783 = arith.muli %parallel_loop3A_781, %parallel_loop3A_782 : i32
        %parallel_loop3A_784 = arith.constant 2 : i32
        %parallel_loop3A_785 = arith.index_cast %parallel_loop3A_784 : i32 to index
        %parallel_loop3A_786 = arith.index_cast %parallel_loop3A_765 : i32 to index
        %parallel_loop3A_787 = arith.index_cast %parallel_loop3A_783 : i32 to index
        %parallel_loop3A_788 = tpu.vector_load %arg6[%parallel_loop3A_785, %parallel_loop3A_786, %parallel_loop3A_787] {strides = array<i32>} : memref<4x16x1024xf32, #tpu.memory_space<vmem>>, vector<1x1x16xf32>,
        %parallel_loop3A_789 = vector.shape_cast %parallel_loop3A_788 : vector<1x1x16xf32> to vector<16xf32>
        %parallel_loop3A_790 = arith.index_cast %rem3A_125 : i32 to index
        %parallel_loop3A_791 = arith.index_cast %parallel_loop3A_765 : i32 to index
        %parallel_loop3A_792 = arith.index_cast %parallel_loop3A_783 : i32 to index
        %parallel_loop3A_793 = tpu.vector_load %arg5[%parallel_loop3A_790, %parallel_loop3A_791, %parallel_loop3A_792] {strides = array<i32>} : memref<2x16x1024xf32, #tpu.memory_space<vmem>>, vector<1x1x16xf32>,
        %parallel_loop3A_794 = vector.shape_cast %parallel_loop3A_793 : vector<1x1x16xf32> to vector<16xf32>
        %parallel_loop3A_795 = arith.addf %parallel_loop3A_789, %parallel_loop3A_794 : vector<16xf32>
        %parallel_loop3A_796 = arith.constant 2 : i32
        %parallel_loop3A_797 = arith.index_cast %parallel_loop3A_796 : i32 to index
        %parallel_loop3A_798 = arith.index_cast %parallel_loop3A_765 : i32 to index
        %parallel_loop3A_799 = arith.index_cast %parallel_loop3A_783 : i32 to index
        %parallel_loop3A_800 = tpu.vector_load %arg6[%parallel_loop3A_797, %parallel_loop3A_798, %parallel_loop3A_799] {strides = array<i32>} : memref<4x16x1024xf32, #tpu.memory_space<vmem>>, vector<1x1x16xf32>,
        %parallel_loop3A_801 = vector.shape_cast %parallel_loop3A_800 : vector<1x1x16xf32> to vector<16xf32>
        %parallel_loop3A_802 = vector.shape_cast %parallel_loop3A_795 : vector<16xf32> to vector<1x1x16xf32>
        tpu.vector_store %arg6[%parallel_loop3A_797, %parallel_loop3A_798, %parallel_loop3A_799], %parallel_loop3A_802 {strides = array<i32>} : memref<4x16x1024xf32, #tpu.memory_space<vmem>>, vector<1x1x16xf32>,
      } {sc.loop_unroll_factor = 8 : i64, sc.parallel_access}
      %add3A_619 = arith.constant 576 : i32
      %add3A_620 = arith.addi %mul3A_4, %add3A_619 : i32
      %mul3A_621 = arith.constant 16 : i32
      %mul3A_622 = arith.muli %scan3A_124, %mul3A_621 : i32
      %add3A_623 = arith.addi %add3A_620, %mul3A_622 : i32
      %dma_start3A_624 = arith.constant 2 : i32
      %dma_start3A_625 = arith.constant 2 : i32
      %dma_start3A_626 = arith.constant 0 : i32
      %dma_start3A_627 = arith.constant 0 : i32
      %dma_start3A_628 = tpu.memref_slice %arg6[%dma_start3A_624, %dma_start3A_626, %dma_start3A_627] : memref<4x16x1024xf32, #tpu.memory_space<vmem>> -> memref<1x16x1024xf32, #tpu.memory_space<vmem>>
      %dma_start3A_629 = tpu.memref_squeeze %dma_start3A_628 : memref<1x16x1024xf32, #tpu.memory_space<vmem>> -> memref<16x1024xf32, #tpu.memory_space<vmem>>
      %dma_start3A_630 = arith.constant 0 : i32
      %dma_start3A_631 = tpu.memref_slice %arg4[%add3A_623, %dma_start3A_630] : memref<24576x1024xf32, #tpu.memory_space<hbm>> -> memref<16x1024xf32, #tpu.memory_space<hbm>>
      %dma_start3A_632 = tpu.memref_slice %arg9[%dma_start3A_625] : memref<4x!tpu.dma_semaphore, #tpu.memory_space<semaphore_mem>> -> memref<1x!tpu.dma_semaphore, #tpu.memory_space<semaphore_mem>>
      %dma_start3A_633 = tpu.memref_squeeze %dma_start3A_632 : memref<1x!tpu.dma_semaphore, #tpu.memory_space<semaphore_mem>> -> memref<!tpu.dma_semaphore, #tpu.memory_space<semaphore_mem>>
      %dma_start3A_634 = arith.constant 0 : i32
      %dma_start3A_635 = tpu.memref_slice %arg4[%add3A_623, %dma_start3A_634] : memref<24576x1024xf32, #tpu.memory_space<hbm>> -> memref<16x1024xf32, #tpu.memory_space<hbm>>
      %dma_start3A_636 = arith.constant 0 : i32
      %dma_start3A_637 = arith.constant 0 : i32
      %dma_start3A_638 = tpu.memref_slice %arg6[%dma_start3A_624, %dma_start3A_636, %dma_start3A_637] : memref<4x16x1024xf32, #tpu.memory_space<vmem>> -> memref<1x16x1024xf32, #tpu.memory_space<vmem>>
      %dma_start3A_639 = tpu.memref_squeeze %dma_start3A_638 : memref<1x16x1024xf32, #tpu.memory_space<vmem>> -> memref<16x1024xf32, #tpu.memory_space<vmem>>
      tpu.enqueue_dma source(%dma_start3A_639 : memref<16x1024xf32, #tpu.memory_space<vmem>>) target(%dma_start3A_635 : memref<16x1024xf32, #tpu.memory_space<hbm>>) target_semaphore(%dma_start3A_633 : memref<!tpu.dma_semaphore, #tpu.memory_space<semaphore_mem>>)
      %add3A_640 = arith.constant 384 : i32
      %add3A_641 = arith.addi %mul3A_4, %add3A_640 : i32
      %mul3A_642 = arith.constant 16 : i32
      %mul3A_643 = arith.muli %scan3A_124, %mul3A_642 : i32
      %add3A_644 = arith.addi %add3A_641, %mul3A_643 : i32
      %dma_wait3A_645 = arith.constant 0 : i32
      %dma_wait3A_646 = arith.constant 0 : i32
      %dma_wait3A_647 = arith.constant 0 : i32
      %dma_wait3A_648 = arith.constant 0 : i32
      %dma_wait3A_649 = tpu.memref_slice %arg6[%dma_wait3A_645, %dma_wait3A_647, %dma_wait3A_648] : memref<4x16x1024xf32, #tpu.memory_space<vmem>> -> memref<1x16x1024xf32, #tpu.memory_space<vmem>>
      %dma_wait3A_650 = tpu.memref_squeeze %dma_wait3A_649 : memref<1x16x1024xf32, #tpu.memory_space<vmem>> -> memref<16x1024xf32, #tpu.memory_space<vmem>>
      %dma_wait3A_651 = arith.constant 0 : i32
      %dma_wait3A_652 = tpu.memref_slice %arg4[%add3A_644, %dma_wait3A_651] : memref<24576x1024xf32, #tpu.memory_space<hbm>> -> memref<16x1024xf32, #tpu.memory_space<hbm>>
      %dma_wait3A_653 = tpu.memref_slice %arg9[%dma_wait3A_646] : memref<4x!tpu.dma_semaphore, #tpu.memory_space<semaphore_mem>> -> memref<1x!tpu.dma_semaphore, #tpu.memory_space<semaphore_mem>>
      %dma_wait3A_654 = tpu.memref_squeeze %dma_wait3A_653 : memref<1x!tpu.dma_semaphore, #tpu.memory_space<semaphore_mem>> -> memref<!tpu.dma_semaphore, #tpu.memory_space<semaphore_mem>>
      %dma_wait3A_655 = arith.constant 0 : i32
      %dma_wait3A_656 = tpu.memref_slice %arg4[%add3A_644, %dma_wait3A_655] : memref<24576x1024xf32, #tpu.memory_space<hbm>> -> memref<16x1024xf32, #tpu.memory_space<hbm>>
      %dma_wait3A_657 = arith.constant 0 : i32
      %dma_wait3A_658 = arith.constant 0 : i32
      %dma_wait3A_659 = tpu.memref_slice %arg6[%dma_wait3A_645, %dma_wait3A_657, %dma_wait3A_658] : memref<4x16x1024xf32, #tpu.memory_space<vmem>> -> memref<1x16x1024xf32, #tpu.memory_space<vmem>>
      %dma_wait3A_660 = tpu.memref_squeeze %dma_wait3A_659 : memref<1x16x1024xf32, #tpu.memory_space<vmem>> -> memref<16x1024xf32, #tpu.memory_space<vmem>>
      tpu.wait_dma2 semaphore(%dma_wait3A_654 : memref<!tpu.dma_semaphore, #tpu.memory_space<semaphore_mem>>) src(%dma_wait3A_660 : memref<16x1024xf32, #tpu.memory_space<vmem>>) dst(%dma_wait3A_656 : memref<16x1024xf32, #tpu.memory_space<hbm>>)
      %lt3A = arith.constant 5 : i32
      %lt3A_661 = arith.cmpi slt, %scan3A_124, %lt3A : i32
      %convert_element_type3A_662 = arith.extui %lt3A_661 : i1 to i32
      %cond3A_663 = arith.constant 0 : i32
      %cond3A_664 = arith.cmpi ne, %convert_element_type3A_662, %cond3A_663 : i32
      scf.if %cond3A_664 {
        %add3A_741 = arith.constant 1 : i32
        %add3A_742 = arith.addi %scan3A_124, %add3A_741 : i32
        %add3A_743 = arith.constant 0 : i32
        %add3A_744 = arith.addi %mul3A_4, %add3A_743 : i32
        %mul3A_745 = arith.constant 16 : i32
        %mul3A_746 = arith.muli %add3A_742, %mul3A_745 : i32
        %add3A_747 = arith.addi %add3A_744, %mul3A_746 : i32
        %dma_start3A_748 = arith.constant 0 : i32
        %dma_start3A_749 = arith.constant 0 : i32
        %dma_start3A_750 = arith.constant 0 : i32
        %dma_start3A_751 = arith.constant 0 : i32
        %dma_start3A_752 = tpu.memref_slice %arg6[%dma_start3A_748, %dma_start3A_750, %dma_start3A_751] : memref<4x16x1024xf32, #tpu.memory_space<vmem>> -> memref<1x16x1024xf32, #tpu.memory_space<vmem>>
        %dma_start3A_753 = tpu.memref_squeeze %dma_start3A_752 : memref<1x16x1024xf32, #tpu.memory_space<vmem>> -> memref<16x1024xf32, #tpu.memory_space<vmem>>
        %dma_start3A_754 = arith.constant 0 : i32
        %dma_start3A_755 = tpu.memref_slice %arg2[%add3A_747, %dma_start3A_754] : memref<24576x1024xf32, #tpu.memory_space<hbm>> -> memref<16x1024xf32, #tpu.memory_space<hbm>>
        %dma_start3A_756 = tpu.memref_slice %arg8[%dma_start3A_749] : memref<4x!tpu.dma_semaphore, #tpu.memory_space<semaphore_mem>> -> memref<1x!tpu.dma_semaphore, #tpu.memory_space<semaphore_mem>>
        %dma_start3A_757 = tpu.memref_squeeze %dma_start3A_756 : memref<1x!tpu.dma_semaphore, #tpu.memory_space<semaphore_mem>> -> memref<!tpu.dma_semaphore, #tpu.memory_space<semaphore_mem>>
        %dma_start3A_758 = arith.constant 0 : i32
        %dma_start3A_759 = arith.constant 0 : i32
        %dma_start3A_760 = tpu.memref_slice %arg6[%dma_start3A_748, %dma_start3A_758, %dma_start3A_759] : memref<4x16x1024xf32, #tpu.memory_space<vmem>> -> memref<1x16x1024xf32, #tpu.memory_space<vmem>>
        %dma_start3A_761 = tpu.memref_squeeze %dma_start3A_760 : memref<1x16x1024xf32, #tpu.memory_space<vmem>> -> memref<16x1024xf32, #tpu.memory_space<vmem>>
        %dma_start3A_762 = arith.constant 0 : i32
        %dma_start3A_763 = tpu.memref_slice %arg2[%add3A_747, %dma_start3A_762] : memref<24576x1024xf32, #tpu.memory_space<hbm>> -> memref<16x1024xf32, #tpu.memory_space<hbm>>
        tpu.enqueue_dma source(%dma_start3A_763 : memref<16x1024xf32, #tpu.memory_space<hbm>>) target(%dma_start3A_761 : memref<16x1024xf32, #tpu.memory_space<vmem>>) target_semaphore(%dma_start3A_757 : memref<!tpu.dma_semaphore, #tpu.memory_space<semaphore_mem>>)
      } else {
      }
      %add3A_665 = arith.constant 672 : i32
      %add3A_666 = arith.addi %mul3A_4, %add3A_665 : i32
      %mul3A_667 = arith.constant 16 : i32
      %mul3A_668 = arith.muli %scan3A_124, %mul3A_667 : i32
      %add3A_669 = arith.addi %add3A_666, %mul3A_668 : i32
      %dma_wait3A_670 = arith.constant 3 : i32
      %dma_wait3A_671 = arith.constant 3 : i32
      %dma_wait3A_672 = arith.constant 0 : i32
      %dma_wait3A_673 = arith.constant 0 : i32
      %dma_wait3A_674 = tpu.memref_slice %arg6[%dma_wait3A_670, %dma_wait3A_672, %dma_wait3A_673] : memref<4x16x1024xf32, #tpu.memory_space<vmem>> -> memref<1x16x1024xf32, #tpu.memory_space<vmem>>
      %dma_wait3A_675 = tpu.memref_squeeze %dma_wait3A_674 : memref<1x16x1024xf32, #tpu.memory_space<vmem>> -> memref<16x1024xf32, #tpu.memory_space<vmem>>
      %dma_wait3A_676 = arith.constant 0 : i32
      %dma_wait3A_677 = tpu.memref_slice %arg2[%add3A_669, %dma_wait3A_676] : memref<24576x1024xf32, #tpu.memory_space<hbm>> -> memref<16x1024xf32, #tpu.memory_space<hbm>>
      %dma_wait3A_678 = tpu.memref_slice %arg8[%dma_wait3A_671] : memref<4x!tpu.dma_semaphore, #tpu.memory_space<semaphore_mem>> -> memref<1x!tpu.dma_semaphore, #tpu.memory_space<semaphore_mem>>
      %dma_wait3A_679 = tpu.memref_squeeze %dma_wait3A_678 : memref<1x!tpu.dma_semaphore, #tpu.memory_space<semaphore_mem>> -> memref<!tpu.dma_semaphore, #tpu.memory_space<semaphore_mem>>
      %dma_wait3A_680 = arith.constant 0 : i32
      %dma_wait3A_681 = arith.constant 0 : i32
      %dma_wait3A_682 = tpu.memref_slice %arg6[%dma_wait3A_670, %dma_wait3A_680, %dma_wait3A_681] : memref<4x16x1024xf32, #tpu.memory_space<vmem>> -> memref<1x16x1024xf32, #tpu.memory_space<vmem>>
      %dma_wait3A_683 = tpu.memref_squeeze %dma_wait3A_682 : memref<1x16x1024xf32, #tpu.memory_space<vmem>> -> memref<16x1024xf32, #tpu.memory_space<vmem>>
      %dma_wait3A_684 = arith.constant 0 : i32
      %dma_wait3A_685 = tpu.memref_slice %arg2[%add3A_669, %dma_wait3A_684] : memref<24576x1024xf32, #tpu.memory_space<hbm>> -> memref<16x1024xf32, #tpu.memory_space<hbm>>
      tpu.wait_dma2 semaphore(%dma_wait3A_679 : memref<!tpu.dma_semaphore, #tpu.memory_space<semaphore_mem>>) src(%dma_wait3A_685 : memref<16x1024xf32, #tpu.memory_space<hbm>>) dst(%dma_wait3A_683 : memref<16x1024xf32, #tpu.memory_space<vmem>>)
      %parallel_loop3A_686 = arith.constant 0 : i32
      %parallel_loop3A_687 = arith.constant 1024 : i32
      %parallel_loop3A_688 = arith.constant 1 : i32
      scf.for %parallel_loop3A_741 = %parallel_loop3A_686 to %parallel_loop3A_687 step %parallel_loop3A_688  : i32 {
        %parallel_loop3A_742 = arith.constant 64 : i32
        %parallel_loop3A_743 = arith.divsi %parallel_loop3A_741, %parallel_loop3A_742 : i32
        %parallel_loop3A_744 = arith.constant 0 : i32
        %parallel_loop3A_745 = arith.cmpi sgt, %parallel_loop3A_741, %parallel_loop3A_744 : i32
        %parallel_loop3A_746 = arith.extui %parallel_loop3A_745 : i1 to i32
        %parallel_loop3A_747 = arith.constant 0 : i32
        %parallel_loop3A_748 = arith.cmpi slt, %parallel_loop3A_741, %parallel_loop3A_747 : i32
        %parallel_loop3A_749 = arith.extui %parallel_loop3A_748 : i1 to i32
        %parallel_loop3A_750 = arith.subi %parallel_loop3A_746, %parallel_loop3A_749 : i32
        %parallel_loop3A_751 = arith.constant 0 : i32
        %parallel_loop3A_752 = arith.cmpi sgt, %parallel_loop3A_742, %parallel_loop3A_751 : i32
        %parallel_loop3A_753 = arith.extui %parallel_loop3A_752 : i1 to i32
        %parallel_loop3A_754 = arith.constant 0 : i32
        %parallel_loop3A_755 = arith.cmpi slt, %parallel_loop3A_742, %parallel_loop3A_754 : i32
        %parallel_loop3A_756 = arith.extui %parallel_loop3A_755 : i1 to i32
        %parallel_loop3A_757 = arith.subi %parallel_loop3A_753, %parallel_loop3A_756 : i32
        %parallel_loop3A_758 = arith.cmpi ne, %parallel_loop3A_750, %parallel_loop3A_757 : i32
        %parallel_loop3A_759 = arith.remsi %parallel_loop3A_741, %parallel_loop3A_742 : i32
        %parallel_loop3A_760 = arith.constant 0 : i32
        %parallel_loop3A_761 = arith.cmpi ne, %parallel_loop3A_759, %parallel_loop3A_760 : i32
        %parallel_loop3A_762 = arith.andi %parallel_loop3A_758, %parallel_loop3A_761 : i1
        %parallel_loop3A_763 = arith.constant 1 : i32
        %parallel_loop3A_764 = arith.subi %parallel_loop3A_743, %parallel_loop3A_763 : i32
        %parallel_loop3A_765 = arith.select %parallel_loop3A_762, %parallel_loop3A_764, %parallel_loop3A_743 : i32
        %parallel_loop3A_766 = arith.constant 64 : i32
        %parallel_loop3A_767 = arith.constant 0 : i32
        %parallel_loop3A_768 = arith.cmpi eq, %parallel_loop3A_766, %parallel_loop3A_767 : i32
        %parallel_loop3A_769 = arith.constant 1 : i32
        %parallel_loop3A_770 = arith.select %parallel_loop3A_768, %parallel_loop3A_769, %parallel_loop3A_766 : i32
        %parallel_loop3A_771 = arith.remsi %parallel_loop3A_741, %parallel_loop3A_770 : i32
        %parallel_loop3A_772 = arith.constant 0 : i32
        %parallel_loop3A_773 = arith.cmpi ne, %parallel_loop3A_771, %parallel_loop3A_772 : i32
        %parallel_loop3A_774 = arith.constant 0 : i32
        %parallel_loop3A_775 = arith.cmpi slt, %parallel_loop3A_771, %parallel_loop3A_774 : i32
        %parallel_loop3A_776 = arith.constant 0 : i32
        %parallel_loop3A_777 = arith.cmpi slt, %parallel_loop3A_770, %parallel_loop3A_776 : i32
        %parallel_loop3A_778 = arith.xori %parallel_loop3A_775, %parallel_loop3A_777 : i1
        %parallel_loop3A_779 = arith.andi %parallel_loop3A_778, %parallel_loop3A_773 : i1
        %parallel_loop3A_780 = arith.addi %parallel_loop3A_771, %parallel_loop3A_770 : i32
        %parallel_loop3A_781 = arith.select %parallel_loop3A_779, %parallel_loop3A_780, %parallel_loop3A_771 : i32
        %parallel_loop3A_782 = arith.constant 16 : i32
        %parallel_loop3A_783 = arith.muli %parallel_loop3A_781, %parallel_loop3A_782 : i32
        %parallel_loop3A_784 = arith.constant 3 : i32
        %parallel_loop3A_785 = arith.index_cast %parallel_loop3A_784 : i32 to index
        %parallel_loop3A_786 = arith.index_cast %parallel_loop3A_765 : i32 to index
        %parallel_loop3A_787 = arith.index_cast %parallel_loop3A_783 : i32 to index
        %parallel_loop3A_788 = tpu.vector_load %arg6[%parallel_loop3A_785, %parallel_loop3A_786, %parallel_loop3A_787] {strides = array<i32>} : memref<4x16x1024xf32, #tpu.memory_space<vmem>>, vector<1x1x16xf32>,
        %parallel_loop3A_789 = vector.shape_cast %parallel_loop3A_788 : vector<1x1x16xf32> to vector<16xf32>
        %parallel_loop3A_790 = arith.index_cast %rem3A_125 : i32 to index
        %parallel_loop3A_791 = arith.index_cast %parallel_loop3A_765 : i32 to index
        %parallel_loop3A_792 = arith.index_cast %parallel_loop3A_783 : i32 to index
        %parallel_loop3A_793 = tpu.vector_load %arg5[%parallel_loop3A_790, %parallel_loop3A_791, %parallel_loop3A_792] {strides = array<i32>} : memref<2x16x1024xf32, #tpu.memory_space<vmem>>, vector<1x1x16xf32>,
        %parallel_loop3A_794 = vector.shape_cast %parallel_loop3A_793 : vector<1x1x16xf32> to vector<16xf32>
        %parallel_loop3A_795 = arith.addf %parallel_loop3A_789, %parallel_loop3A_794 : vector<16xf32>
        %parallel_loop3A_796 = arith.constant 3 : i32
        %parallel_loop3A_797 = arith.index_cast %parallel_loop3A_796 : i32 to index
        %parallel_loop3A_798 = arith.index_cast %parallel_loop3A_765 : i32 to index
        %parallel_loop3A_799 = arith.index_cast %parallel_loop3A_783 : i32 to index
        %parallel_loop3A_800 = tpu.vector_load %arg6[%parallel_loop3A_797, %parallel_loop3A_798, %parallel_loop3A_799] {strides = array<i32>} : memref<4x16x1024xf32, #tpu.memory_space<vmem>>, vector<1x1x16xf32>,
        %parallel_loop3A_801 = vector.shape_cast %parallel_loop3A_800 : vector<1x1x16xf32> to vector<16xf32>
        %parallel_loop3A_802 = vector.shape_cast %parallel_loop3A_795 : vector<16xf32> to vector<1x1x16xf32>
        tpu.vector_store %arg6[%parallel_loop3A_797, %parallel_loop3A_798, %parallel_loop3A_799], %parallel_loop3A_802 {strides = array<i32>} : memref<4x16x1024xf32, #tpu.memory_space<vmem>>, vector<1x1x16xf32>,
      } {sc.loop_unroll_factor = 8 : i64, sc.parallel_access}
      %add3A_689 = arith.constant 672 : i32
      %add3A_690 = arith.addi %mul3A_4, %add3A_689 : i32
      %mul3A_691 = arith.constant 16 : i32
      %mul3A_692 = arith.muli %scan3A_124, %mul3A_691 : i32
      %add3A_693 = arith.addi %add3A_690, %mul3A_692 : i32
      %dma_start3A_694 = arith.constant 3 : i32
      %dma_start3A_695 = arith.constant 3 : i32
      %dma_start3A_696 = arith.constant 0 : i32
      %dma_start3A_697 = arith.constant 0 : i32
      %dma_start3A_698 = tpu.memref_slice %arg6[%dma_start3A_694, %dma_start3A_696, %dma_start3A_697] : memref<4x16x1024xf32, #tpu.memory_space<vmem>> -> memref<1x16x1024xf32, #tpu.memory_space<vmem>>
      %dma_start3A_699 = tpu.memref_squeeze %dma_start3A_698 : memref<1x16x1024xf32, #tpu.memory_space<vmem>> -> memref<16x1024xf32, #tpu.memory_space<vmem>>
      %dma_start3A_700 = arith.constant 0 : i32
      %dma_start3A_701 = tpu.memref_slice %arg4[%add3A_693, %dma_start3A_700] : memref<24576x1024xf32, #tpu.memory_space<hbm>> -> memref<16x1024xf32, #tpu.memory_space<hbm>>
      %dma_start3A_702 = tpu.memref_slice %arg9[%dma_start3A_695] : memref<4x!tpu.dma_semaphore, #tpu.memory_space<semaphore_mem>> -> memref<1x!tpu.dma_semaphore, #tpu.memory_space<semaphore_mem>>
      %dma_start3A_703 = tpu.memref_squeeze %dma_start3A_702 : memref<1x!tpu.dma_semaphore, #tpu.memory_space<semaphore_mem>> -> memref<!tpu.dma_semaphore, #tpu.memory_space<semaphore_mem>>
      %dma_start3A_704 = arith.constant 0 : i32
      %dma_start3A_705 = tpu.memref_slice %arg4[%add3A_693, %dma_start3A_704] : memref<24576x1024xf32, #tpu.memory_space<hbm>> -> memref<16x1024xf32, #tpu.memory_space<hbm>>
      %dma_start3A_706 = arith.constant 0 : i32
      %dma_start3A_707 = arith.constant 0 : i32
      %dma_start3A_708 = tpu.memref_slice %arg6[%dma_start3A_694, %dma_start3A_706, %dma_start3A_707] : memref<4x16x1024xf32, #tpu.memory_space<vmem>> -> memref<1x16x1024xf32, #tpu.memory_space<vmem>>
      %dma_start3A_709 = tpu.memref_squeeze %dma_start3A_708 : memref<1x16x1024xf32, #tpu.memory_space<vmem>> -> memref<16x1024xf32, #tpu.memory_space<vmem>>
      tpu.enqueue_dma source(%dma_start3A_709 : memref<16x1024xf32, #tpu.memory_space<vmem>>) target(%dma_start3A_705 : memref<16x1024xf32, #tpu.memory_space<hbm>>) target_semaphore(%dma_start3A_703 : memref<!tpu.dma_semaphore, #tpu.memory_space<semaphore_mem>>)
      %add3A_710 = arith.constant 480 : i32
      %add3A_711 = arith.addi %mul3A_4, %add3A_710 : i32
      %mul3A_712 = arith.constant 16 : i32
      %mul3A_713 = arith.muli %scan3A_124, %mul3A_712 : i32
      %add3A_714 = arith.addi %add3A_711, %mul3A_713 : i32
      %dma_wait3A_715 = arith.constant 1 : i32
      %dma_wait3A_716 = arith.constant 1 : i32
      %dma_wait3A_717 = arith.constant 0 : i32
      %dma_wait3A_718 = arith.constant 0 : i32
      %dma_wait3A_719 = tpu.memref_slice %arg6[%dma_wait3A_715, %dma_wait3A_717, %dma_wait3A_718] : memref<4x16x1024xf32, #tpu.memory_space<vmem>> -> memref<1x16x1024xf32, #tpu.memory_space<vmem>>
      %dma_wait3A_720 = tpu.memref_squeeze %dma_wait3A_719 : memref<1x16x1024xf32, #tpu.memory_space<vmem>> -> memref<16x1024xf32, #tpu.memory_space<vmem>>
      %dma_wait3A_721 = arith.constant 0 : i32
      %dma_wait3A_722 = tpu.memref_slice %arg4[%add3A_714, %dma_wait3A_721] : memref<24576x1024xf32, #tpu.memory_space<hbm>> -> memref<16x1024xf32, #tpu.memory_space<hbm>>
      %dma_wait3A_723 = tpu.memref_slice %arg9[%dma_wait3A_716] : memref<4x!tpu.dma_semaphore, #tpu.memory_space<semaphore_mem>> -> memref<1x!tpu.dma_semaphore, #tpu.memory_space<semaphore_mem>>
      %dma_wait3A_724 = tpu.memref_squeeze %dma_wait3A_723 : memref<1x!tpu.dma_semaphore, #tpu.memory_space<semaphore_mem>> -> memref<!tpu.dma_semaphore, #tpu.memory_space<semaphore_mem>>
      %dma_wait3A_725 = arith.constant 0 : i32
      %dma_wait3A_726 = tpu.memref_slice %arg4[%add3A_714, %dma_wait3A_725] : memref<24576x1024xf32, #tpu.memory_space<hbm>> -> memref<16x1024xf32, #tpu.memory_space<hbm>>
      %dma_wait3A_727 = arith.constant 0 : i32
      %dma_wait3A_728 = arith.constant 0 : i32
      %dma_wait3A_729 = tpu.memref_slice %arg6[%dma_wait3A_715, %dma_wait3A_727, %dma_wait3A_728] : memref<4x16x1024xf32, #tpu.memory_space<vmem>> -> memref<1x16x1024xf32, #tpu.memory_space<vmem>>
      %dma_wait3A_730 = tpu.memref_squeeze %dma_wait3A_729 : memref<1x16x1024xf32, #tpu.memory_space<vmem>> -> memref<16x1024xf32, #tpu.memory_space<vmem>>
      tpu.wait_dma2 semaphore(%dma_wait3A_724 : memref<!tpu.dma_semaphore, #tpu.memory_space<semaphore_mem>>) src(%dma_wait3A_730 : memref<16x1024xf32, #tpu.memory_space<vmem>>) dst(%dma_wait3A_726 : memref<16x1024xf32, #tpu.memory_space<hbm>>)
      %lt3A_731 = arith.constant 5 : i32
      %lt3A_732 = arith.cmpi slt, %scan3A_124, %lt3A_731 : i32
      %convert_element_type3A_733 = arith.extui %lt3A_732 : i1 to i32
      %cond3A_734 = arith.constant 0 : i32
      %cond3A_735 = arith.cmpi ne, %convert_element_type3A_733, %cond3A_734 : i32
      scf.if %cond3A_735 {
        %add3A_741 = arith.constant 1 : i32
        %add3A_742 = arith.addi %scan3A_124, %add3A_741 : i32
        %add3A_743 = arith.constant 96 : i32
        %add3A_744 = arith.addi %mul3A_4, %add3A_743 : i32
        %mul3A_745 = arith.constant 16 : i32
        %mul3A_746 = arith.muli %add3A_742, %mul3A_745 : i32
        %add3A_747 = arith.addi %add3A_744, %mul3A_746 : i32
        %dma_start3A_748 = arith.constant 1 : i32
        %dma_start3A_749 = arith.constant 1 : i32
        %dma_start3A_750 = arith.constant 0 : i32
        %dma_start3A_751 = arith.constant 0 : i32
        %dma_start3A_752 = tpu.memref_slice %arg6[%dma_start3A_748, %dma_start3A_750, %dma_start3A_751] : memref<4x16x1024xf32, #tpu.memory_space<vmem>> -> memref<1x16x1024xf32, #tpu.memory_space<vmem>>
        %dma_start3A_753 = tpu.memref_squeeze %dma_start3A_752 : memref<1x16x1024xf32, #tpu.memory_space<vmem>> -> memref<16x1024xf32, #tpu.memory_space<vmem>>
        %dma_start3A_754 = arith.constant 0 : i32
        %dma_start3A_755 = tpu.memref_slice %arg2[%add3A_747, %dma_start3A_754] : memref<24576x1024xf32, #tpu.memory_space<hbm>> -> memref<16x1024xf32, #tpu.memory_space<hbm>>
        %dma_start3A_756 = tpu.memref_slice %arg8[%dma_start3A_749] : memref<4x!tpu.dma_semaphore, #tpu.memory_space<semaphore_mem>> -> memref<1x!tpu.dma_semaphore, #tpu.memory_space<semaphore_mem>>
        %dma_start3A_757 = tpu.memref_squeeze %dma_start3A_756 : memref<1x!tpu.dma_semaphore, #tpu.memory_space<semaphore_mem>> -> memref<!tpu.dma_semaphore, #tpu.memory_space<semaphore_mem>>
        %dma_start3A_758 = arith.constant 0 : i32
        %dma_start3A_759 = arith.constant 0 : i32
        %dma_start3A_760 = tpu.memref_slice %arg6[%dma_start3A_748, %dma_start3A_758, %dma_start3A_759] : memref<4x16x1024xf32, #tpu.memory_space<vmem>> -> memref<1x16x1024xf32, #tpu.memory_space<vmem>>
        %dma_start3A_761 = tpu.memref_squeeze %dma_start3A_760 : memref<1x16x1024xf32, #tpu.memory_space<vmem>> -> memref<16x1024xf32, #tpu.memory_space<vmem>>
        %dma_start3A_762 = arith.constant 0 : i32
        %dma_start3A_763 = tpu.memref_slice %arg2[%add3A_747, %dma_start3A_762] : memref<24576x1024xf32, #tpu.memory_space<hbm>> -> memref<16x1024xf32, #tpu.memory_space<hbm>>
        tpu.enqueue_dma source(%dma_start3A_763 : memref<16x1024xf32, #tpu.memory_space<hbm>>) target(%dma_start3A_761 : memref<16x1024xf32, #tpu.memory_space<vmem>>) target_semaphore(%dma_start3A_757 : memref<!tpu.dma_semaphore, #tpu.memory_space<semaphore_mem>>)
      } else {
      }
      %lt3A_736 = arith.constant 4 : i32
      %lt3A_737 = arith.cmpi slt, %scan3A_124, %lt3A_736 : i32
      %convert_element_type3A_738 = arith.extui %lt3A_737 : i1 to i32
      %cond3A_739 = arith.constant 0 : i32
      %cond3A_740 = arith.cmpi ne, %convert_element_type3A_738, %cond3A_739 : i32
      scf.if %cond3A_740 {
        %add3A_741 = arith.constant 2 : i32
        %add3A_742 = arith.addi %scan3A_124, %add3A_741 : i32
        %mul3A_743 = arith.constant 16 : i32
        %mul3A_744 = arith.muli %add3A_742, %mul3A_743 : i32
        %dma_start3A_745 = arith.constant 0 : i32
        %dma_start3A_746 = arith.constant 0 : i32
        %dma_start3A_747 = tpu.memref_slice %arg5[%rem3A_125, %dma_start3A_745, %dma_start3A_746] : memref<2x16x1024xf32, #tpu.memory_space<vmem>> -> memref<1x16x1024xf32, #tpu.memory_space<vmem>>
        %dma_start3A_748 = tpu.memref_squeeze %dma_start3A_747 : memref<1x16x1024xf32, #tpu.memory_space<vmem>> -> memref<16x1024xf32, #tpu.memory_space<vmem>>
        %dma_start3A_749 = arith.constant 0 : i32
        %dma_start3A_750 = tpu.memref_slice %arg3[%mul3A_744, %dma_start3A_749] : memref<96x1024xf32, #tpu.memory_space<hbm>> -> memref<16x1024xf32, #tpu.memory_space<hbm>>
        %dma_start3A_751 = tpu.memref_slice %arg7[%rem3A_125] : memref<2x!tpu.dma_semaphore, #tpu.memory_space<semaphore_mem>> -> memref<1x!tpu.dma_semaphore, #tpu.memory_space<semaphore_mem>>
        %dma_start3A_752 = tpu.memref_squeeze %dma_start3A_751 : memref<1x!tpu.dma_semaphore, #tpu.memory_space<semaphore_mem>> -> memref<!tpu.dma_semaphore, #tpu.memory_space<semaphore_mem>>
        %dma_start3A_753 = arith.constant 0 : i32
        %dma_start3A_754 = arith.constant 0 : i32
        %dma_start3A_755 = tpu.memref_slice %arg5[%rem3A_125, %dma_start3A_753, %dma_start3A_754] : memref<2x16x1024xf32, #tpu.memory_space<vmem>> -> memref<1x16x1024xf32, #tpu.memory_space<vmem>>
        %dma_start3A_756 = tpu.memref_squeeze %dma_start3A_755 : memref<1x16x1024xf32, #tpu.memory_space<vmem>> -> memref<16x1024xf32, #tpu.memory_space<vmem>>
        %dma_start3A_757 = arith.constant 0 : i32
        %dma_start3A_758 = tpu.memref_slice %arg3[%mul3A_744, %dma_start3A_757] : memref<96x1024xf32, #tpu.memory_space<hbm>> -> memref<16x1024xf32, #tpu.memory_space<hbm>>
        tpu.enqueue_dma source(%dma_start3A_758 : memref<16x1024xf32, #tpu.memory_space<hbm>>) target(%dma_start3A_756 : memref<16x1024xf32, #tpu.memory_space<vmem>>) target_semaphore(%dma_start3A_752 : memref<!tpu.dma_semaphore, #tpu.memory_space<semaphore_mem>>)
      } else {
      }
    }
    %scan3A_84 = arith.constant 6 : i32
    %add3A_85 = arith.constant 576 : i32
    %add3A_86 = arith.addi %mul3A_4, %add3A_85 : i32
    %add3A_87 = arith.constant 80 : i32
    %add3A_88 = arith.addi %add3A_86, %add3A_87 : i32
    %dma_wait3A = arith.constant 2 : i32
    %dma_wait3A_89 = arith.constant 2 : i32
    %dma_wait3A_90 = arith.constant 0 : i32
    %dma_wait3A_91 = arith.constant 0 : i32
    %dma_wait3A_92 = tpu.memref_slice %arg6[%dma_wait3A, %dma_wait3A_90, %dma_wait3A_91] : memref<4x16x1024xf32, #tpu.memory_space<vmem>> -> memref<1x16x1024xf32, #tpu.memory_space<vmem>>
    %dma_wait3A_93 = tpu.memref_squeeze %dma_wait3A_92 : memref<1x16x1024xf32, #tpu.memory_space<vmem>> -> memref<16x1024xf32, #tpu.memory_space<vmem>>
    %dma_wait3A_94 = arith.constant 0 : i32
    %dma_wait3A_95 = tpu.memref_slice %arg4[%add3A_88, %dma_wait3A_94] : memref<24576x1024xf32, #tpu.memory_space<hbm>> -> memref<16x1024xf32, #tpu.memory_space<hbm>>
    %dma_wait3A_96 = tpu.memref_slice %arg9[%dma_wait3A_89] : memref<4x!tpu.dma_semaphore, #tpu.memory_space<semaphore_mem>> -> memref<1x!tpu.dma_semaphore, #tpu.memory_space<semaphore_mem>>
    %dma_wait3A_97 = tpu.memref_squeeze %dma_wait3A_96 : memref<1x!tpu.dma_semaphore, #tpu.memory_space<semaphore_mem>> -> memref<!tpu.dma_semaphore, #tpu.memory_space<semaphore_mem>>
    %dma_wait3A_98 = arith.constant 0 : i32
    %dma_wait3A_99 = tpu.memref_slice %arg4[%add3A_88, %dma_wait3A_98] : memref<24576x1024xf32, #tpu.memory_space<hbm>> -> memref<16x1024xf32, #tpu.memory_space<hbm>>
    %dma_wait3A_100 = arith.constant 0 : i32
    %dma_wait3A_101 = arith.constant 0 : i32
    %dma_wait3A_102 = tpu.memref_slice %arg6[%dma_wait3A, %dma_wait3A_100, %dma_wait3A_101] : memref<4x16x1024xf32, #tpu.memory_space<vmem>> -> memref<1x16x1024xf32, #tpu.memory_space<vmem>>
    %dma_wait3A_103 = tpu.memref_squeeze %dma_wait3A_102 : memref<1x16x1024xf32, #tpu.memory_space<vmem>> -> memref<16x1024xf32, #tpu.memory_space<vmem>>
    tpu.wait_dma2 semaphore(%dma_wait3A_97 : memref<!tpu.dma_semaphore, #tpu.memory_space<semaphore_mem>>) src(%dma_wait3A_103 : memref<16x1024xf32, #tpu.memory_space<vmem>>) dst(%dma_wait3A_99 : memref<16x1024xf32, #tpu.memory_space<hbm>>)
    %add3A_104 = arith.constant 672 : i32
    %add3A_105 = arith.addi %mul3A_4, %add3A_104 : i32
    %add3A_106 = arith.constant 80 : i32
    %add3A_107 = arith.addi %add3A_105, %add3A_106 : i32
    %dma_wait3A_108 = arith.constant 3 : i32
    %dma_wait3A_109 = arith.constant 3 : i32
    %dma_wait3A_110 = arith.constant 0 : i32
    %dma_wait3A_111 = arith.constant 0 : i32
    %dma_wait3A_112 = tpu.memref_slice %arg6[%dma_wait3A_108, %dma_wait3A_110, %dma_wait3A_111] : memref<4x16x1024xf32, #tpu.memory_space<vmem>> -> memref<1x16x1024xf32, #tpu.memory_space<vmem>>
    %dma_wait3A_113 = tpu.memref_squeeze %dma_wait3A_112 : memref<1x16x1024xf32, #tpu.memory_space<vmem>> -> memref<16x1024xf32, #tpu.memory_space<vmem>>
    %dma_wait3A_114 = arith.constant 0 : i32
    %dma_wait3A_115 = tpu.memref_slice %arg4[%add3A_107, %dma_wait3A_114] : memref<24576x1024xf32, #tpu.memory_space<hbm>> -> memref<16x1024xf32, #tpu.memory_space<hbm>>
    %dma_wait3A_116 = tpu.memref_slice %arg9[%dma_wait3A_109] : memref<4x!tpu.dma_semaphore, #tpu.memory_space<semaphore_mem>> -> memref<1x!tpu.dma_semaphore, #tpu.memory_space<semaphore_mem>>
    %dma_wait3A_117 = tpu.memref_squeeze %dma_wait3A_116 : memref<1x!tpu.dma_semaphore, #tpu.memory_space<semaphore_mem>> -> memref<!tpu.dma_semaphore, #tpu.memory_space<semaphore_mem>>
    %dma_wait3A_118 = arith.constant 0 : i32
    %dma_wait3A_119 = tpu.memref_slice %arg4[%add3A_107, %dma_wait3A_118] : memref<24576x1024xf32, #tpu.memory_space<hbm>> -> memref<16x1024xf32, #tpu.memory_space<hbm>>
    %dma_wait3A_120 = arith.constant 0 : i32
    %dma_wait3A_121 = arith.constant 0 : i32
    %dma_wait3A_122 = tpu.memref_slice %arg6[%dma_wait3A_108, %dma_wait3A_120, %dma_wait3A_121] : memref<4x16x1024xf32, #tpu.memory_space<vmem>> -> memref<1x16x1024xf32, #tpu.memory_space<vmem>>
    %dma_wait3A_123 = tpu.memref_squeeze %dma_wait3A_122 : memref<1x16x1024xf32, #tpu.memory_space<vmem>> -> memref<16x1024xf32, #tpu.memory_space<vmem>>
    tpu.wait_dma2 semaphore(%dma_wait3A_117 : memref<!tpu.dma_semaphore, #tpu.memory_space<semaphore_mem>>) src(%dma_wait3A_123 : memref<16x1024xf32, #tpu.memory_space<vmem>>) dst(%dma_wait3A_119 : memref<16x1024xf32, #tpu.memory_space<hbm>>)
    return
  }
}

</mosaic_0001>

<sc_bundles>
// kernel: kernel.3.cloned.1.call-start
scs
__scs_entry_jumppad:
0x0: {  	(pc) =	sbr.rel $0x88, $3  }
0x1: {  	(tag) =	ssettag $0x0;
	lr =	simm.s32 $0x1  }
0x2: {  	[smem:$0x3F9F] =	sst lr;
	_ =	strace $0xD0000000  }
0x3: {  	_ = 	snop  }
0x4: {  	_ = 	snop  }
0x5: {  	_ = 	snop  }
0x6: {  	_ = 	snop  }
0x7: {  	_ = 	snop  }
__scs_overlays_trampoline_lowered:
0x8: {  	[smem:$0x3FAE] =	sst s0  }
0x9: {  	[smem:$0x3FAF] =	sst s1  }
0xa: {  	[smem:$0x3FB0] =	sst s2  }
0xb: {  	[smem:$0x3FB1] =	sst s3  }
0xc: {  	[smem:$0x3FB2] =	sst s4  }
0xd: {  	[smem:$0x3FB3] =	sst s5  }
0xe: {  	[smem:$0x3FB4] =	sst s6  }
0xf: {  	[smem:$0x3FB5] =	sst s7  }
0x10: {  	[smem:$0x3FB6] =	sst s8  }
0x11: {  	[smem:$0x3FB7] =	sst s9;
	s0 =	simm.s32 @!p0 $0x0  }
0x12: {  	s1 =	sld [smem:$0x3F9D];
	s0 =	simm.s32 @p0 $0x1  }
0x13: {  	[smem:$0x3FB8] =	sst s0;
	s0 =	simm.s32 @!p1 $0x0  }
0x14: {  	s2 =	sld [smem:$0x3F9C];
	s0 =	simm.s32 @p1 $0x1  }
0x15: {  	[smem:$0x3FB9] =	sst s0;
	s0 =	simm.s32 @!p2 $0x0  }
0x16: {  	s3 =	sld [smem:$0x3FDB];
	s0 =	simm.s32 @p2 $0x1  }
0x17: {  	s4 =	simm.s32 $0x1BF5;
	[smem:$0x3FBB] =	sst s0  }
0x18: {  	s0 =	sld [smem:$0x3F9E];
	_ =	swait.ge [sflag:s4], $0x0  }
0x19: {  	s7 =	sld [smem:$0x3F9F]  }
0x1a: {  	s8 =	sadd.s32 $0xFFFFE003, lr  }
0x1b: {  	s9 =	sadd.s32 $0xFFFFFEF7, lr;
	s5 =	simm.s32 $0xFFFFFFFF;
	p2 =	slt.u32 s8, $0xFFFFF086  }
0x1c: {  	p1 =	slt.u32 s9, $0xF7A;
	s5 =	simm.s32 @!p2 $0x0  }
0x1d: {  	s5 =	simm.s32 @p1 $0x1;
	p0 =	seq.s32 s7, s2  }
0x1e: {  	s7 =	smul.u32 @!p0 $0xF7A, s2;
	p2 =	seq.s32 @!p0 s5, $0x0  }
0x1f: {  	s9 =	smul.u32 $0xF7A, s1;
	s8 =	simm.s32 @!p0 $0x1BF5;
	p2 =	por !p2, p0  }
0x20: {  	[sflag:s8] =	ssyncset.s32 @!p0 $0xFFFFF086;
	s6 =	sadd.s32 @!p0 s3, s7;
	s7 =	simm.s32 @!p0 $0x108  }
0x21: {  	s3 =	sadd.s32 s3, s9;
	s6 =	sadd.s32 @!p0 $0x88, s6;
	s7 =	simm.s32 @p2 $0x1082  }
0x22: {  	[simem:s7], [sflag:s8] =	dma.local @!p0 [hbm:s6], $0xF7A  }
0x23: {  	s9 =	sor.u32 $0xD0000000, s2;
	s6 =	simm.s32 $0x108;
	_ =	swait.ge @!p0 [sflag:s8], $0x0  }
0x24: {  	s3 =	sadd.s32 $0x88, s3;
	s6 =	simm.s32 @!p1 $0x1082;
	[sflag:s4] =	ssyncset.s32 $0xFFFFF086  }
0x25: {  	[simem:s6], [sflag:s4] =	dma.local [hbm:s3], $0xF7A  }
0x26: {  	[smem:$0x3F9F] =	sst s1;
	(tag) =	ssettag s2;
	_ =	strace s9  }
0x27: {  	s1 =	sld [smem:$0x3FAF]  }
0x28: {  	s2 =	sld [smem:$0x3FB0]  }
0x29: {  	s4 =	sld [smem:$0x3FB2]  }
0x2a: {  	p0 =	seq.s32 s5, $0x0;
	s5 =	sld [smem:$0x3FB3]  }
0x2b: {  	s6 =	sld [smem:$0x3FB4]  }
0x2c: {  	s7 =	sld [smem:$0x3FB5]  }
0x2d: {  	s3 =	simm.s32 $0x108;
	s8 =	sld [smem:$0x3FB6]  }
0x2e: {  	s3 =	simm.s32 @!p0 $0x1082;
	s9 =	sld [smem:$0x3FB7]  }
0x2f: {  	lr =	sadd.s32 s0, s3;
	s0 =	sld [smem:$0x3FAE]  }
0x30: {  	s3 =	sld [smem:$0x3FB1]  }
0x31: {  	[smem:$0x3FBA] =	sst s10  }
0x32: {  	s10 =	sld [smem:$0x3FB8];
	_ =	sdelay $0x3  }
0x33: {  	p0 =	seq.s32 s10, $0x1;
	s10 =	sld [smem:$0x3FBA];
	_ =	sdelay $0x3  }
0x34: {  	[smem:$0x3FBA] =	sst s10  }
0x35: {  	s10 =	sld [smem:$0x3FB9];
	_ =	sdelay $0x3  }
0x36: {  	p1 =	seq.s32 s10, $0x1;
	s10 =	sld [smem:$0x3FBA];
	_ =	sdelay $0x3  }
0x37: {  	[smem:$0x3FBA] =	sst s10  }
0x38: {  	s10 =	sld [smem:$0x3FBB]  }
0x39: {  	_ = 	snop;
	(pc) =	sbr.ind lr, $3  }
0x3a: {  	_ = 	snop  }
0x3b: {  	_ = 	snop  }
0x3c: {  	p2 =	seq.s32 s10, $0x1;
	s10 =	sld [smem:$0x3FBA]  }
0x3d: {  	_ =	shalt  }
0x3e: {  	_ =	shalt  }
0x3f: {  	_ =	shalt  }
0x40: {  	_ =	shalt  }
0x41: {  	_ =	shalt  }
0x42: {  	_ =	shalt  }
0x43: {  	_ =	shalt  }
0x44: {  	_ =	shalt  }
0x45: {  	_ =	shalt  }
0x46: {  	_ =	shalt  }
0x47: {  	_ =	shalt  }
0x48: {  	_ =	shalt  }
0x49: {  	_ =	shalt  }
0x4a: {  	_ =	shalt  }
0x4b: {  	_ =	shalt  }
0x4c: {  	_ =	shalt  }
0x4d: {  	_ =	shalt  }
0x4e: {  	_ =	shalt  }
0x4f: {  	_ =	shalt  }
0x50: {  	_ =	shalt  }
0x51: {  	_ =	shalt  }
0x52: {  	_ =	shalt  }
0x53: {  	_ =	shalt  }
0x54: {  	_ =	shalt  }
0x55: {  	_ =	shalt  }
0x56: {  	_ =	shalt  }
0x57: {  	_ =	shalt  }
0x58: {  	_ =	shalt  }
0x59: {  	_ =	shalt  }
0x5a: {  	_ =	shalt  }
0x5b: {  	_ =	shalt  }
0x5c: {  	_ =	shalt  }
0x5d: {  	_ =	shalt  }
0x5e: {  	_ =	shalt  }
0x5f: {  	_ =	shalt  }
0x60: {  	_ =	shalt  }
0x61: {  	_ =	shalt  }
0x62: {  	_ =	shalt  }
0x63: {  	_ =	shalt  }
0x64: {  	_ =	shalt  }
0x65: {  	_ =	shalt  }
0x66: {  	_ =	shalt  }
0x67: {  	_ =	shalt  }
0x68: {  	_ =	shalt  }
0x69: {  	_ =	shalt  }
0x6a: {  	_ =	shalt  }
0x6b: {  	_ =	shalt  }
0x6c: {  	_ =	shalt  }
0x6d: {  	_ =	shalt  }
0x6e: {  	_ =	shalt  }
0x6f: {  	_ =	shalt  }
0x70: {  	_ =	shalt  }
0x71: {  	_ =	shalt  }
0x72: {  	_ =	shalt  }
0x73: {  	_ =	shalt  }
0x74: {  	_ =	shalt  }
0x75: {  	_ =	shalt  }
0x76: {  	_ =	shalt  }
0x77: {  	_ =	shalt  }
0x78: {  	_ =	shalt  }
0x79: {  	_ =	shalt  }
0x7a: {  	_ =	shalt  }
0x7b: {  	_ =	shalt  }
0x7c: {  	_ =	shalt  }
0x7d: {  	_ =	shalt  }
0x7e: {  	_ =	shalt  }
0x7f: {  	_ =	shalt  }
0x80: {  	_ =	shalt  }
0x81: {  	_ =	shalt  }
0x82: {  	_ =	shalt  }
0x83: {  	_ =	shalt  }
0x84: {  	_ =	shalt  }
0x85: {  	_ =	shalt  }
0x86: {  	_ =	shalt  }
0x87: {  	_ =	shalt  }
.Lfunc_end0:
.L_simem_size_0:
called_computation_lowered:
.L_overlay_start_0:
0x88: {  	s2 =	sld [smem:$0x3FD9]  }
0x89: {  	s3 =	sld [smem:$0x3FFE];
	_ =	sdelay $0x1  }
0x8a: {  	s1 =	srdreg.scid  }
0x8b: {  	s0 =	sand.u32 $0x1, s1  }
0x8c: {  	s18 =	sshll.u32 s0, $0xA;
	s2 =	sadd.s32 s3, s2  }
0x8d: {  	s2 =	sadd.s32 s2, s18  }
0x8e: {  	[smem:$0x3FC6] =	sst s2  }
0x8f: {  	_ = 	snop  }
0x90: {  	s2 =	sld [smem:$0x3FC9]  }
0x91: {  	s19 =	sld [smem:$0x3FC8]  }
0x92: {  	s4 =	sld [smem:$0x3FD0];
	(tm) =	ssettm $0x1  }
0x93: {  	s5 =	sld [smem:$0x3FFB];
	_ =	sdelay $0x3  }
0x94: {  	_ =	strace s5  }
0x95: {  	s5 =	sld [smem:$0x3FFC];
	_ =	sdelay $0x3  }
0x96: {  	_ =	strace s5  }
0x97: {  	s5 =	sld [smem:$0x3FFD];
	_ =	sdelay $0x3  }
0x98: {  	_ =	strace s5  }
0x99: {  	_ =	strace $0x8FFFFFFF  }
0x9a: {  	s20 =	sld [smem:$0x3FDB];
	_ =	sdelay $0x1  }
0x9b: {  	s6 =	simm.s32 $_scs_section_size  }
0x9c: {  	s7 =	simm.s32 $_size__tile_overlayer_lowered;
	s8 =	simm.s32 $_tile_overlayer_lowered  }
0x9d: {  	s23 =	simm.s32 $0x1BFF;
	s22 =	sshll.u32 s8, $0x1;
	s5 =	sadd.s32 s6, s20  }
0x9e: {  	s9 =	simm.s32 $0x0;
	s21 =	sshll.u32 s7, $0x1;
	s7 =	sadd.s32 s22, s5  }
0x9f: {  	[timem:s9], [sflag:s23] =	dma.local [hbm:s7], s21  }
0xa0: {  	_ =	swait.ge [sflag:s23], s21  }
0xa1: {  	s6 =	ssub.s32 $0x0, s21;
	[sflag:s23] =	ssyncset.done $0x0  }
0xa2: {  	[sflag:s23] =	ssyncadd.s32 s6;
	_ =	sdelay $0x1  }
0xa3: {  	s24 =	simm.s32 $0x1B8B  }
0xa4: {  	_ =	swait.ge [sflag:s24], $0x1  }
0xa5: {  	[sflag:s24] =	ssyncset.done $0x0  }
0xa6: {  	s25 =	simm.s32 $0x1B8E;
	[sflag:s24] =	ssyncadd.s32 $0xFFFFFFFF  }
0xa7: {  	s26 =	simm.s32 $execute0_lowered;
	[smem:$0x3FD2] =	sst s25  }
0xa8: {  	s6 =	sshll.u32 s26, $0x1;
	_ =	strace $0x80000046;
	[dreg:$0x1] =	wrdreg $0xFFFFFFFF  }
0xa9: {  	s28 =	simm.s32 $_size_execute0_lowered;
	s5 =	sadd.s32 s5, s6;
	[dreg:$0x0] =	wrdreg $0x0  }
0xaa: {  	s6 =	sshll.u32 s28, $0x1;
	[dreg:$0x2] =	wrdreg s5  }
0xab: {  	[dreg:$0x3] =	wrdreg s6  }
0xac: {  	[dreg:$0x4] =	wrdreg $0xC0  }
0xad: {  	_ =	task [dreg:s9], $0x5FFFF  }
0xae: {  	[dreg:$0x1] =	wrdreg $0xFFFFFFFF  }
0xaf: {  	[dreg:$0x0] =	wrdreg $0x60  }
0xb0: {  	[dreg:$0x2] =	wrdreg s2  }
0xb1: {  	[dreg:$0x3] =	wrdreg s19  }
0xb2: {  	[dreg:$0x4] =	wrdreg s4  }
0xb3: {  	[dreg:$0x5] =	wrdreg $0x9  }
0xb4: {  	_ =	task.clear_ibuf [dreg:s9], $0x6FFFF;
	_ =	strace $0x90000046  }
0xb5: {  	s29 =	simm.s32 $0x9;
	_ =	strace $0x80000048  }
0xb6: {  	_ =	swait.ge [sflag:s29], $0x1  }
0xb7: {  	[sflag:s29] =	ssyncadd.s32 $0xFFFFFFFF  }
0xb8: {  	_ =	strace $0x90000048  }
0xb9: {  	_ =	sfence  }
0xba: {  	s30 =	sld [smem:$0x0];
	_ =	sdelay $0x2  }
0xbb: {  	s31 =	sshll.u32 s1, $0xD;
	s1 =	sshrl.u32 s1, $0x2  }
0xbc: {  	s3 =	sand.u32 $0x4000, s31;
	s1 =	sadd.s32 s1, s30  }
0xbd: {  	s0 =	sor.u32 s3, s0;
	s1 =	sshll.u32 s1, $0x11  }
0xbe: {  	s0 =	sor.u32 s1, s0  }
0xbf: {  	s0 =	sadd.s32 $0x8F2B, s0  }
0xc0: {  	[sflag:s0] =	ssyncadd.remote.s32 $0x1  }
0xc1: {  	_ =	sfence.sel $0xFFFF  }
0xc2: {  	[dreg:$0x0] =	wrdreg $0xFFFFFFFF;
	(pc) =	sbr.abs _section_cstart, $3  }
0xc3: {  	[dreg:$0x1] =	wrdreg $0xFFFFFFFF  }
0xc4: {  	_ =	task.clear_ibuf [dreg:s9], $0x2FFFF;
	_ =	strace $0x9FFFFFFF  }
0xc5: {  	(tm) =	ssettm $0x7FFFFFFF  }
tec
execute0_lowered:
.L_overlay_start_1:
0x0: {  	(tag) =	ssettag $0x1  }
0x1: {  	s1 =	rddreg [dreg:$0x0]  }
0x2: {  	s7 =	rddreg [dreg:$0x1];
	s0 =	srdreg.scid  }
0x3: {  	s2 =	stileid.u32;
	s4 =	rddreg [dreg:$0x2];
	s5 =	simm.s32 $0x0  }
0x4: {  	s28 =	simm.s32 $0x10000;
	s29 =	simm.s32 $0x4;
	s30 =	simm.s32 $0x14000  }
0x5: {  	s31 =	simm.s32 $0x5;
	s0 =	sand.u32 $0x1, s0;
	s2 =	sshll.u32 s2, $0x1  }
0x6: {  	[smem:$0x7FF] =	sst s5;
	s18 =	sadd.s32 $0x800, s7;
	s26 =	sadd.s32 $0x1000, s7  }
0x7: {  	s7 =	simm.s32 $0x0;
	s2 =	sor.u32 s0, s2;
	_ =	strace $0x80000047  }
0x8: {  	s0 =	ssub.s32 $0x2, s0;
	[dreg:$0x5] =	wrdreg s18;
	s8 =	smul.u32 $0x300, s2  }
0x9: {  	[dreg:$0x10] =	wrdreg s26;
	s26 =	simm.s32 $0x3;
	s6 =	smul.u32 $0x18000, s2  }
0xa: {  	s3 =	sshrl.u32 s0, $0x1;
	s2 =	smul.u32 $0xC0000, s2;
	s9 =	sor.u32 $0x60, s8  }
0xb: {  	s0 =	ssub.s32 s0, s3;
	s19 =	sor.u32 $0x10, s8;
	[dreg:$0x4] =	wrdreg s9  }
0xc: {  	s6 =	sadd.s32 s1, s6;
	s12 =	sor.u32 $0xC0, s8;
	[dreg:$0x8] =	wrdreg s19  }
0xd: {  	s2 =	sshrl.u32 s2, $0x3;
	s21 =	sadd.s32 $0x180, s8;
	[dreg:$0x6] =	wrdreg s6  }
0xe: {  	s14 =	sadd.s32 $0x120, s8;
	s22 =	sadd.s32 $0x1E0, s8;
	[dreg:$0xb] =	wrdreg s21  }
0xf: {  	s23 =	sadd.s32 $0x240, s8;
	s24 =	sadd.s32 $0x2A0, s8;
	[dreg:$0xc] =	wrdreg s22  }
0x10: {  	s25 =	sor.u32 $0x70, s8;
	s0 =	smax.u32 s0, $0x1;
	[dreg:$0xd] =	wrdreg s23  }
0x11: {  	s17 =	sshll.u32 s9, $0x7;
	s20 =	sadd.s32 $0x6000, s6;
	[dreg:$0xe] =	wrdreg s24  }
0x12: {  	s2 =	sadd.s32 $0x9000, s2;
	s21 =	smov.u32 s8;
	[dreg:$0xf] =	wrdreg s25  }
0x13: {  	[dreg:$0x11] =	wrdreg s0;
	s24 =	simm.s32 $0x8000;
	s25 =	simm.s32 $0xC000  }
0x14: {  	s0 =	simm.s32 $0x6;
	s23 =	simm.s32 $0x8;
	[dreg:$0x9] =	wrdreg s20  }
0x15: {  	s8 =	simm.s32 $0xA;
	s3 =	sadd.s32 s1, s17;
	[dreg:$0xa] =	wrdreg s2  }
0x16: {  	s2 =	simm.s32 $0x7;
	[dreg:$0x7] =	wrdreg s3;
	s3 =	simm.s32 $0x9  }
.LBB2_1:
0x17: {  	s6 =	rddreg [dreg:$0x1]  }
0x18: {  	[tilespmem:s5], [sflag:$0x1] =	stream.linear.gather [hbm4b:s6+s5], $0x4000, $0x38;
	[tilespmem:$0x18000] =	vst v63  }
0x19: {  	s18 =	rddreg [dreg:$0x5];
	s19 =	simm.s32 $0x4000  }
0x1a: {  	[tilespmem:s19], [sflag:$0x2] =	stream.linear.gather [hbm4b:s18+s5], $0x4000, $0x38;
	[tilespmem:$0x18000] =	vst v63  }
0x1b: {  	s20 =	rddreg [dreg:$0x6]  }
0x1c: {  	[tilespmem:s24], [sflag:$0x3] =	stream.linear.gather [hbm4b:s20+s5], $0x4000, $0x38;
	[tilespmem:$0x18000] =	vst v63  }
0x1d: {  	s22 =	rddreg [dreg:$0x7]  }
0x1e: {  	[tilespmem:s25], [sflag:$0x4] =	stream.linear.gather [hbm4b:s22+s5], $0x4000, $0x38;
	[tilespmem:$0x18000] =	vst v63  }
0x1f: {  	[dreg:$0x12] =	wrdreg s7;
	s22 =	simm.s32 $0x0  }
.LBB2_2:
0x20: {  	_ =	swait.ge [sflag:s26], $0x4000  }
0x21: {  	s6 =	sand.u32 $0x1, s22;
	s7 =	simm.s32 $0x0;
	s20 =	simm.s32 $0x0  }
0x22: {  	s13 =	simm.s32 $0x0;
	[sflag:s26] =	ssyncset.done $0x0;
	s9 =	sadd.s32 $0x1, s6  }
0x23: {  	s10 =	sshll.u32 s6, $0xE;
	s6 =	sand.u32 $0x2000, s20;
	[sflag:s26] =	ssyncadd.s32 $0xFFFFC000  }
0x24: {  	s11 =	sand.u32 $0x1C00, s7;
	s13 =	sand.u32 $0x380, s13;
	_ =	swait.ge [sflag:s9], $0x4000  }
0x25: {  	s15 =	sor.u32 s11, s6;
	s16 =	sadd.s32 s6, s10;
	[sflag:s9] =	ssyncset.done $0x0  }
0x26: {  	s6 =	sor.u32 s13, s15;
	s11 =	sadd.s32 s11, s16;
	[sflag:s9] =	ssyncadd.s32 $0xFFFFC000  }
0x27: {  	s11 =	sadd.s32 s13, s11;
	v0 =	vld [tilespmem:s6+$0x8070]  }
0x28: {  	v7 =	vld [tilespmem:s11+$0x70]  }
0x29: {  	v6 =	vld [tilespmem:s11+$0x0]  }
0x2a: {  	v5 =	vld [tilespmem:s11+$0x10]  }
0x2b: {  	v4 =	vld [tilespmem:s11+$0x20]  }
0x2c: {  	v3 =	vld [tilespmem:s11+$0x30]  }
0x2d: {  	v1 =	vld [tilespmem:s11+$0x40]  }
0x2e: {  	v2 =	vld [tilespmem:s11+$0x50]  }
0x2f: {  	v8 =	vld [tilespmem:s6+$0x8000];
	v7 =	vadd.f32 v7, v0  }
0x30: {  	v0 =	vld [tilespmem:s11+$0x60]  }
0x31: {  	s11 =	simm.s32 $0x0;
	[tilespmem:s6+$0x8070] =	vst v7;
	v7 =	vld [tilespmem:s6+$0x8010]  }
.LBB2_3:
0x32: {  	s11 =	sadd.s32 $0x8, s11;
	v9 =	vld [tilespmem:s6+$0x8020]  }
0x33: {  	s7 =	sadd.s32 $0x400, s7;
	s13 =	sshll.u32 s11, $0x4;
	p0 =	slt.u32 s11, $0x3F8;
	v10 =	vld [tilespmem:s6+$0x8030]  }
0x34: {  	s15 =	sand.u32 $0x1C00, s7;
	s16 =	sshll.u32 s11, $0x1;
	s13 =	sand.u32 $0x2000, s13;
	v11 =	vld [tilespmem:s6+$0x8040]  }
0x35: {  	s16 =	sand.u32 $0x380, s16;
	s17 =	sor.u32 s15, s13;
	s13 =	sadd.s32 s13, s10;
	v6 =	vadd.f32 v6, v8;
	v8 =	vld [tilespmem:s6+$0x8050]  }
0x36: {  	s17 =	sor.u32 s16, s17;
	s13 =	sadd.s32 s15, s13;
	v5 =	vadd.f32 v5, v7;
	v7 =	vld [tilespmem:s6+$0x8060]  }
0x37: {  	s13 =	sadd.s32 s16, s13;
	v12 =	vld [tilespmem:s17+$0x8070];
	[tilespmem:s6+$0x8000] =	vst v6;
	v4 =	vadd.f32 v4, v9  }
0x38: {  	v9 =	vld [tilespmem:s13+$0x70];
	[tilespmem:s6+$0x8010] =	vst v5;
	v3 =	vadd.f32 v3, v10  }
0x39: {  	v6 =	vld [tilespmem:s13+$0x0];
	[tilespmem:s6+$0x8020] =	vst v4;
	v1 =	vadd.f32 v1, v11  }
0x3a: {  	v5 =	vld [tilespmem:s13+$0x10];
	[tilespmem:s6+$0x8030] =	vst v3;
	v2 =	vadd.f32 v2, v8  }
0x3b: {  	v4 =	vld [tilespmem:s13+$0x20];
	[tilespmem:s6+$0x8040] =	vst v1;
	v0 =	vadd.f32 v0, v7  }
0x3c: {  	v3 =	vld [tilespmem:s13+$0x30];
	[tilespmem:s6+$0x8050] =	vst v2  }
.Ltmp0:
0x3d: {  	v1 =	vld [tilespmem:s13+$0x40];
	v7 =	vadd.f32 v9, v12;
	[tilespmem:s6+$0x8060] =	vst v0;
	s6 =	smov.u32 s17;
	(pc) =	sbr.rel @p0 .LBB2_3-.Ltmp0, $4  }
0x3e: {  	v2 =	vld [tilespmem:s13+$0x50]  }
0x3f: {  	v0 =	vld [tilespmem:s13+$0x60];
	[tilespmem:s6+$0x8070] =	vst v7  }
0x40: {  	v8 =	vld [tilespmem:s6+$0x8000]  }
0x41: {  	v7 =	vld [tilespmem:s6+$0x8010]  }
0x42: {  	v9 =	vld [tilespmem:s6+$0x8020]  }
0x43: {  	v10 =	vld [tilespmem:s6+$0x8030]  }
0x44: {  	v11 =	vld [tilespmem:s6+$0x8040]  }
0x45: {  	v6 =	vadd.f32 v6, v8;
	v8 =	vld [tilespmem:s6+$0x8050]  }
0x46: {  	v5 =	vadd.f32 v5, v7;
	v7 =	vld [tilespmem:s6+$0x8060]  }
0x47: {  	[tilespmem:s6+$0x8000] =	vst v6;
	v4 =	vadd.f32 v4, v9  }
0x48: {  	v3 =	vadd.f32 v3, v10;
	[tilespmem:s6+$0x8010] =	vst v5  }
0x49: {  	v1 =	vadd.f32 v1, v11;
	[tilespmem:s6+$0x8020] =	vst v4  }
0x4a: {  	s7 =	sshll.u32 s22, $0x4;
	[tilespmem:s6+$0x8030] =	vst v3;
	v2 =	vadd.f32 v2, v8  }
0x4b: {  	s11 =	sadd.s32 s21, s7;
	[tilespmem:s6+$0x8040] =	vst v1;
	v0 =	vadd.f32 v0, v7  }
0x4c: {  	p0 =	seq.s32 s22, $0x0;
	s11 =	sshll.u32 s11, $0x7;
	[tilespmem:s6+$0x8050] =	vst v2  }
0x4d: {  	s18 =	sadd.s32 s4, s11;
	[tilespmem:s6+$0x8060] =	vst v0;
	s6 =	simm.s32 @!p0 $0x9  }
0x4e: {  	[hbm4b:s18+s5] =	stream.linear.scatter [tilespmem:s24], [sflag:$0x7], $0x4000, $0x38;
	[tilespmem:$0x18000] =	vst v63  }
0x4f: {  	s19 =	simm.s32 $0x0;
	s11 =	sadd.s32 @!p0 s7, s12;
	_ =	swait.ge @!p0 [sflag:s6], $0x4000  }
0x50: {  	s15 =	simm.s32 $0x0;
	s11 =	sshll.u32 @!p0 s11, $0x7;
	[sflag:s6] =	ssyncset.done @!p0 $0x0  }
0x51: {  	s13 =	sadd.s32 @!p0 s1, s11;
	[sflag:s6] =	ssyncadd.s32 @!p0 $0xFFFFC000;
	s6 =	rddreg [dreg:$0x9]  }
0x52: {  	s15 =	sand.u32 $0x380, s15;
	s11 =	simm.s32 $0x0;
	s13 =	smov.u32 @p0 s6  }
0x53: {  	[tilespmem:s28], [sflag:$0x5] =	stream.linear.gather [hbm4b:s13+s11], $0x4000, $0x38;
	[tilespmem:$0x18000] =	vst v63  }
0x54: {  	s20 =	sand.u32 $0x1C00, s11;
	s6 =	sand.u32 $0x2000, s19;
	_ =	swait.ge [sflag:s29], $0x4000  }
0x55: {  	s16 =	sor.u32 s20, s6;
	s17 =	sadd.s32 s6, s10;
	[sflag:s29] =	ssyncset.done $0x0  }
0x56: {  	s6 =	sor.u32 s15, s16;
	s13 =	sadd.s32 s20, s17;
	[sflag:s29] =	ssyncadd.s32 $0xFFFFC000  }
0x57: {  	s13 =	sadd.s32 s15, s13;
	v0 =	vld [tilespmem:s6+$0xC070]  }
0x58: {  	v7 =	vld [tilespmem:s13+$0x70]  }
0x59: {  	v6 =	vld [tilespmem:s13+$0x0]  }
0x5a: {  	v5 =	vld [tilespmem:s13+$0x10]  }
0x5b: {  	v4 =	vld [tilespmem:s13+$0x20]  }
0x5c: {  	v3 =	vld [tilespmem:s13+$0x30]  }
0x5d: {  	v1 =	vld [tilespmem:s13+$0x40]  }
0x5e: {  	v2 =	vld [tilespmem:s13+$0x50]  }
0x5f: {  	v8 =	vld [tilespmem:s6+$0xC000];
	v7 =	vadd.f32 v7, v0  }
0x60: {  	v0 =	vld [tilespmem:s13+$0x60]  }
0x61: {  	s13 =	simm.s32 $0x0;
	[tilespmem:s6+$0xC070] =	vst v7;
	v7 =	vld [tilespmem:s6+$0xC010]  }
.LBB2_5:
0x62: {  	s13 =	sadd.s32 $0x8, s13;
	v9 =	vld [tilespmem:s6+$0xC020]  }
0x63: {  	s11 =	sadd.s32 $0x400, s11;
	s15 =	sshll.u32 s13, $0x4;
	p1 =	slt.u32 s13, $0x3F8;
	v10 =	vld [tilespmem:s6+$0xC030]  }
0x64: {  	s16 =	sand.u32 $0x1C00, s11;
	s17 =	sshll.u32 s13, $0x1;
	s15 =	sand.u32 $0x2000, s15;
	v11 =	vld [tilespmem:s6+$0xC040]  }
0x65: {  	s17 =	sand.u32 $0x380, s17;
	s18 =	sor.u32 s16, s15;
	s15 =	sadd.s32 s15, s10;
	v6 =	vadd.f32 v6, v8;
	v8 =	vld [tilespmem:s6+$0xC050]  }
0x66: {  	s18 =	sor.u32 s17, s18;
	s15 =	sadd.s32 s16, s15;
	v5 =	vadd.f32 v5, v7;
	v7 =	vld [tilespmem:s6+$0xC060]  }
0x67: {  	s15 =	sadd.s32 s17, s15;
	v12 =	vld [tilespmem:s18+$0xC070];
	[tilespmem:s6+$0xC000] =	vst v6;
	v4 =	vadd.f32 v4, v9  }
0x68: {  	v9 =	vld [tilespmem:s15+$0x70];
	[tilespmem:s6+$0xC010] =	vst v5;
	v3 =	vadd.f32 v3, v10  }
0x69: {  	v6 =	vld [tilespmem:s15+$0x0];
	[tilespmem:s6+$0xC020] =	vst v4;
	v1 =	vadd.f32 v1, v11  }
0x6a: {  	v5 =	vld [tilespmem:s15+$0x10];
	[tilespmem:s6+$0xC030] =	vst v3;
	v2 =	vadd.f32 v2, v8  }
0x6b: {  	v4 =	vld [tilespmem:s15+$0x20];
	[tilespmem:s6+$0xC040] =	vst v1;
	v0 =	vadd.f32 v0, v7  }
0x6c: {  	v3 =	vld [tilespmem:s15+$0x30];
	[tilespmem:s6+$0xC050] =	vst v2  }
.Ltmp1:
0x6d: {  	v1 =	vld [tilespmem:s15+$0x40];
	v7 =	vadd.f32 v9, v12;
	[tilespmem:s6+$0xC060] =	vst v0;
	s6 =	smov.u32 s18;
	(pc) =	sbr.rel @p1 .LBB2_5-.Ltmp1, $4  }
0x6e: {  	v2 =	vld [tilespmem:s15+$0x50]  }
0x6f: {  	v0 =	vld [tilespmem:s15+$0x60];
	[tilespmem:s6+$0xC070] =	vst v7  }
0x70: {  	v8 =	vld [tilespmem:s6+$0xC000]  }
0x71: {  	v7 =	vld [tilespmem:s6+$0xC010]  }
0x72: {  	v9 =	vld [tilespmem:s6+$0xC020]  }
0x73: {  	v10 =	vld [tilespmem:s6+$0xC030]  }
0x74: {  	v11 =	vld [tilespmem:s6+$0xC040]  }
0x75: {  	v6 =	vadd.f32 v6, v8  }
0x76: {  	v5 =	vadd.f32 v5, v7  }
0x77: {  	v8 =	vld [tilespmem:s6+$0xC050];
	[tilespmem:s6+$0xC000] =	vst v6;
	v4 =	vadd.f32 v4, v9  }
0x78: {  	v7 =	vld [tilespmem:s6+$0xC060];
	v3 =	vadd.f32 v3, v10;
	[tilespmem:s6+$0xC010] =	vst v5  }
0x79: {  	v1 =	vadd.f32 v1, v11;
	[tilespmem:s6+$0xC020] =	vst v4  }
0x7a: {  	[tilespmem:s6+$0xC030] =	vst v3  }
0x7b: {  	[tilespmem:s6+$0xC040] =	vst v1  }
0x7c: {  	v2 =	vadd.f32 v2, v8;
	s11 =	rddreg [dreg:$0x4]  }
0x7d: {  	v0 =	vadd.f32 v0, v7;
	s11 =	sadd.s32 s11, s7  }
0x7e: {  	[tilespmem:s6+$0xC050] =	vst v2;
	s11 =	sshll.u32 s11, $0x7  }
0x7f: {  	[tilespmem:s6+$0xC060] =	vst v0;
	s17 =	sadd.s32 s4, s11;
	s6 =	simm.s32 @!p0 $0xA  }
0x80: {  	[hbm4b:s17+s5] =	stream.linear.scatter [tilespmem:s25], [sflag:$0x8], $0x4000, $0x38;
	[tilespmem:$0x18000] =	vst v63  }
0x81: {  	s19 =	simm.s32 $0x0;
	s11 =	sadd.s32 @!p0 s7, s14;
	_ =	swait.ge @!p0 [sflag:s6], $0x4000  }
0x82: {  	s15 =	simm.s32 $0x0;
	s11 =	sshll.u32 @!p0 s11, $0x7;
	s13 =	rddreg [dreg:$0xa]  }
0x83: {  	s15 =	sand.u32 $0x380, s15;
	[sflag:s6] =	ssyncset.done @!p0 $0x0;
	s11 =	smov.u32 @p0 s13  }
0x84: {  	[sflag:s6] =	ssyncadd.s32 @!p0 $0xFFFFC000;
	s18 =	sadd.s32 s1, s11;
	s11 =	simm.s32 $0x0  }
0x85: {  	[tilespmem:s30], [sflag:$0x6] =	stream.linear.gather [hbm4b:s18+s11], $0x4000, $0x38;
	[tilespmem:$0x18000] =	vst v63  }
0x86: {  	s6 =	sand.u32 $0x2000, s19;
	s20 =	sand.u32 $0x1C00, s11;
	_ =	swait.ge [sflag:s31], $0x4000  }
0x87: {  	s17 =	sadd.s32 s6, s10;
	s16 =	sor.u32 s20, s6;
	[sflag:s31] =	ssyncset.done $0x0  }
0x88: {  	s13 =	sadd.s32 s20, s17;
	s6 =	sor.u32 s15, s16;
	[sflag:s31] =	ssyncadd.s32 $0xFFFFC000  }
0x89: {  	s13 =	sadd.s32 s15, s13;
	v0 =	vld [tilespmem:s6+$0x10070]  }
0x8a: {  	v7 =	vld [tilespmem:s13+$0x70]  }
0x8b: {  	v6 =	vld [tilespmem:s13+$0x0]  }
0x8c: {  	v5 =	vld [tilespmem:s13+$0x10]  }
0x8d: {  	v4 =	vld [tilespmem:s13+$0x20]  }
0x8e: {  	v3 =	vld [tilespmem:s13+$0x30]  }
0x8f: {  	v1 =	vld [tilespmem:s13+$0x40]  }
0x90: {  	v2 =	vld [tilespmem:s13+$0x50]  }
0x91: {  	v8 =	vld [tilespmem:s6+$0x10000];
	v7 =	vadd.f32 v7, v0  }
0x92: {  	v0 =	vld [tilespmem:s13+$0x60]  }
0x93: {  	s13 =	simm.s32 $0x0;
	[tilespmem:s6+$0x10070] =	vst v7;
	v7 =	vld [tilespmem:s6+$0x10010]  }
.LBB2_7:
0x94: {  	s13 =	sadd.s32 $0x8, s13;
	v9 =	vld [tilespmem:s6+$0x10020]  }
0x95: {  	s11 =	sadd.s32 $0x400, s11;
	s15 =	sshll.u32 s13, $0x4;
	p0 =	slt.u32 s13, $0x3F8;
	v10 =	vld [tilespmem:s6+$0x10030]  }
0x96: {  	s16 =	sand.u32 $0x1C00, s11;
	s17 =	sshll.u32 s13, $0x1;
	s15 =	sand.u32 $0x2000, s15;
	v11 =	vld [tilespmem:s6+$0x10040]  }
0x97: {  	s17 =	sand.u32 $0x380, s17;
	s18 =	sor.u32 s16, s15;
	s15 =	sadd.s32 s15, s10;
	v6 =	vadd.f32 v6, v8;
	v8 =	vld [tilespmem:s6+$0x10050]  }
0x98: {  	s18 =	sor.u32 s17, s18;
	s15 =	sadd.s32 s16, s15;
	v5 =	vadd.f32 v5, v7;
	v7 =	vld [tilespmem:s6+$0x10060]  }
0x99: {  	s15 =	sadd.s32 s17, s15;
	v12 =	vld [tilespmem:s18+$0x10070];
	[tilespmem:s6+$0x10000] =	vst v6;
	v4 =	vadd.f32 v4, v9  }
0x9a: {  	v9 =	vld [tilespmem:s15+$0x70];
	[tilespmem:s6+$0x10010] =	vst v5;
	v3 =	vadd.f32 v3, v10  }
0x9b: {  	v6 =	vld [tilespmem:s15+$0x0];
	[tilespmem:s6+$0x10020] =	vst v4;
	v1 =	vadd.f32 v1, v11  }
0x9c: {  	v5 =	vld [tilespmem:s15+$0x10];
	[tilespmem:s6+$0x10030] =	vst v3;
	v2 =	vadd.f32 v2, v8  }
0x9d: {  	v4 =	vld [tilespmem:s15+$0x20];
	[tilespmem:s6+$0x10040] =	vst v1;
	v0 =	vadd.f32 v0, v7  }
0x9e: {  	v3 =	vld [tilespmem:s15+$0x30];
	[tilespmem:s6+$0x10050] =	vst v2  }
.Ltmp2:
0x9f: {  	v1 =	vld [tilespmem:s15+$0x40];
	v7 =	vadd.f32 v9, v12;
	[tilespmem:s6+$0x10060] =	vst v0;
	s6 =	smov.u32 s18;
	(pc) =	sbr.rel @p0 .LBB2_7-.Ltmp2, $4  }
0xa0: {  	v2 =	vld [tilespmem:s15+$0x50]  }
0xa1: {  	v0 =	vld [tilespmem:s15+$0x60];
	[tilespmem:s6+$0x10070] =	vst v7  }
0xa2: {  	v8 =	vld [tilespmem:s6+$0x10000]  }
0xa3: {  	v7 =	vld [tilespmem:s6+$0x10010]  }
0xa4: {  	v9 =	vld [tilespmem:s6+$0x10020]  }
0xa5: {  	v10 =	vld [tilespmem:s6+$0x10030]  }
0xa6: {  	v11 =	vld [tilespmem:s6+$0x10040]  }
0xa7: {  	v6 =	vadd.f32 v6, v8;
	v8 =	vld [tilespmem:s6+$0x10050]  }
0xa8: {  	v5 =	vadd.f32 v5, v7;
	v7 =	vld [tilespmem:s6+$0x10060]  }
0xa9: {  	[tilespmem:s6+$0x10000] =	vst v6;
	v4 =	vadd.f32 v4, v9  }
0xaa: {  	v3 =	vadd.f32 v3, v10;
	[tilespmem:s6+$0x10010] =	vst v5  }
0xab: {  	v1 =	vadd.f32 v1, v11;
	[tilespmem:s6+$0x10020] =	vst v4  }
0xac: {  	[tilespmem:s6+$0x10030] =	vst v3;
	v2 =	vadd.f32 v2, v8  }
0xad: {  	s11 =	sadd.s32 s7, s12;
	[tilespmem:s6+$0x10040] =	vst v1;
	v0 =	vadd.f32 v0, v7  }
0xae: {  	s11 =	sshll.u32 s11, $0x7;
	[tilespmem:s6+$0x10050] =	vst v2  }
0xaf: {  	s13 =	simm.s32 $0x0;
	s17 =	sadd.s32 s4, s11;
	[tilespmem:s6+$0x10060] =	vst v0  }
0xb0: {  	[hbm4b:s17+s13] =	stream.linear.scatter [tilespmem:s28], [sflag:$0x9], $0x4000, $0x38;
	[tilespmem:$0x18000] =	vst v63  }
0xb1: {  	_ =	swait.ge [sflag:s2], $0x4000  }
0xb2: {  	s18 =	rddreg [dreg:$0xb]  }
0xb3: {  	s20 =	simm.s32 $0x0;
	s6 =	sadd.s32 s18, s7  }
0xb4: {  	s16 =	simm.s32 $0x0;
	[sflag:s2] =	ssyncset.done $0x0;
	s6 =	sshll.u32 s6, $0x7  }
0xb5: {  	s15 =	sand.u32 $0x1C00, s13;
	[sflag:s2] =	ssyncadd.s32 $0xFFFFC000;
	s19 =	sadd.s32 s1, s6  }
0xb6: {  	[tilespmem:s24], [sflag:$0x3] =	stream.linear.gather [hbm4b:s19+s13], $0x4000, $0x38;
	[tilespmem:$0x18000] =	vst v63  }
0xb7: {  	s16 =	sand.u32 $0x380, s16;
	s11 =	sand.u32 $0x2000, s20;
	_ =	swait.ge [sflag:s0], $0x4000  }
0xb8: {  	s17 =	sor.u32 s15, s11;
	s18 =	sadd.s32 s11, s10;
	[sflag:s0] =	ssyncset.done $0x0  }
0xb9: {  	s11 =	sor.u32 s16, s17;
	s15 =	sadd.s32 s15, s18;
	[sflag:s0] =	ssyncadd.s32 $0xFFFFC000  }
0xba: {  	s15 =	sadd.s32 s16, s15;
	v0 =	vld [tilespmem:s11+$0x14070]  }
0xbb: {  	v7 =	vld [tilespmem:s15+$0x70]  }
0xbc: {  	v6 =	vld [tilespmem:s15+$0x0]  }
0xbd: {  	v5 =	vld [tilespmem:s15+$0x10]  }
0xbe: {  	v4 =	vld [tilespmem:s15+$0x20]  }
0xbf: {  	v3 =	vld [tilespmem:s15+$0x30]  }
0xc0: {  	v1 =	vld [tilespmem:s15+$0x40]  }
0xc1: {  	v2 =	vld [tilespmem:s15+$0x50]  }
0xc2: {  	v8 =	vld [tilespmem:s11+$0x14000];
	v7 =	vadd.f32 v7, v0  }
0xc3: {  	v0 =	vld [tilespmem:s15+$0x60]  }
0xc4: {  	s15 =	simm.s32 $0x0;
	[tilespmem:s11+$0x14070] =	vst v7;
	v7 =	vld [tilespmem:s11+$0x14010]  }
.LBB2_9:
0xc5: {  	s15 =	sadd.s32 $0x8, s15;
	v9 =	vld [tilespmem:s11+$0x14020]  }
0xc6: {  	s13 =	sadd.s32 $0x400, s13;
	s16 =	sshll.u32 s15, $0x4;
	p0 =	slt.u32 s15, $0x3F8;
	v10 =	vld [tilespmem:s11+$0x14030]  }
0xc7: {  	s17 =	sand.u32 $0x1C00, s13;
	s18 =	sshll.u32 s15, $0x1;
	s16 =	sand.u32 $0x2000, s16;
	v11 =	vld [tilespmem:s11+$0x14040]  }
0xc8: {  	s18 =	sand.u32 $0x380, s18;
	s19 =	sor.u32 s17, s16;
	s16 =	sadd.s32 s16, s10;
	v6 =	vadd.f32 v6, v8;
	v8 =	vld [tilespmem:s11+$0x14050]  }
0xc9: {  	s19 =	sor.u32 s18, s19;
	s16 =	sadd.s32 s17, s16;
	v5 =	vadd.f32 v5, v7;
	v7 =	vld [tilespmem:s11+$0x14060]  }
0xca: {  	s16 =	sadd.s32 s18, s16;
	v12 =	vld [tilespmem:s19+$0x14070];
	[tilespmem:s11+$0x14000] =	vst v6;
	v4 =	vadd.f32 v4, v9  }
0xcb: {  	v9 =	vld [tilespmem:s16+$0x70];
	[tilespmem:s11+$0x14010] =	vst v5;
	v3 =	vadd.f32 v3, v10  }
0xcc: {  	v6 =	vld [tilespmem:s16+$0x0];
	[tilespmem:s11+$0x14020] =	vst v4;
	v1 =	vadd.f32 v1, v11  }
0xcd: {  	v5 =	vld [tilespmem:s16+$0x10];
	[tilespmem:s11+$0x14030] =	vst v3;
	v2 =	vadd.f32 v2, v8  }
0xce: {  	v4 =	vld [tilespmem:s16+$0x20];
	[tilespmem:s11+$0x14040] =	vst v1;
	v0 =	vadd.f32 v0, v7  }
0xcf: {  	v3 =	vld [tilespmem:s16+$0x30];
	[tilespmem:s11+$0x14050] =	vst v2  }
.Ltmp3:
0xd0: {  	v1 =	vld [tilespmem:s16+$0x40];
	v7 =	vadd.f32 v9, v12;
	[tilespmem:s11+$0x14060] =	vst v0;
	s11 =	smov.u32 s19;
	(pc) =	sbr.rel @p0 .LBB2_9-.Ltmp3, $4  }
0xd1: {  	v2 =	vld [tilespmem:s16+$0x50]  }
0xd2: {  	v0 =	vld [tilespmem:s16+$0x60];
	[tilespmem:s11+$0x14070] =	vst v7  }
0xd3: {  	v8 =	vld [tilespmem:s11+$0x14000]  }
0xd4: {  	v7 =	vld [tilespmem:s11+$0x14010]  }
0xd5: {  	v9 =	vld [tilespmem:s11+$0x14020]  }
0xd6: {  	v10 =	vld [tilespmem:s11+$0x14030]  }
0xd7: {  	v11 =	vld [tilespmem:s11+$0x14040]  }
0xd8: {  	v6 =	vadd.f32 v6, v8;
	v8 =	vld [tilespmem:s11+$0x14050]  }
0xd9: {  	v5 =	vadd.f32 v5, v7;
	v7 =	vld [tilespmem:s11+$0x14060]  }
0xda: {  	[tilespmem:s11+$0x14000] =	vst v6;
	v4 =	vadd.f32 v4, v9  }
0xdb: {  	v3 =	vadd.f32 v3, v10;
	[tilespmem:s11+$0x14010] =	vst v5  }
0xdc: {  	v1 =	vadd.f32 v1, v11;
	[tilespmem:s11+$0x14020] =	vst v4  }
0xdd: {  	[tilespmem:s11+$0x14030] =	vst v3;
	v2 =	vadd.f32 v2, v8  }
0xde: {  	s13 =	sadd.s32 s7, s14;
	[tilespmem:s11+$0x14040] =	vst v1;
	v0 =	vadd.f32 v0, v7  }
0xdf: {  	s13 =	sshll.u32 s13, $0x7;
	[tilespmem:s11+$0x14050] =	vst v2  }
0xe0: {  	s18 =	sadd.s32 s4, s13;
	s13 =	simm.s32 $0x0;
	[tilespmem:s11+$0x14060] =	vst v0  }
0xe1: {  	[hbm4b:s18+s13] =	stream.linear.scatter [tilespmem:s30], [sflag:$0xA], $0x4000, $0x38;
	[tilespmem:$0x18000] =	vst v63  }
0xe2: {  	_ =	swait.ge [sflag:s23], $0x4000  }
0xe3: {  	s19 =	rddreg [dreg:$0xc]  }
0xe4: {  	s20 =	simm.s32 $0x0;
	s11 =	sadd.s32 s7, s19  }
0xe5: {  	s17 =	simm.s32 $0x0;
	[sflag:s23] =	ssyncset.done $0x0;
	s11 =	sshll.u32 s11, $0x7  }
0xe6: {  	s17 =	sand.u32 $0x380, s17;
	[sflag:s23] =	ssyncadd.s32 $0xFFFFC000;
	s15 =	sadd.s32 s1, s11  }
0xe7: {  	[tilespmem:s25], [sflag:$0x4] =	stream.linear.gather [hbm4b:s15+s13], $0x4000, $0x38;
	[tilespmem:$0x18000] =	vst v63  }
0xe8: {  	s16 =	sand.u32 $0x1C00, s13;
	s15 =	sand.u32 $0x2000, s20;
	_ =	swait.ge [sflag:s26], $0x4000  }
0xe9: {  	s18 =	sor.u32 s16, s15;
	s19 =	sadd.s32 s15, s10;
	[sflag:s26] =	ssyncset.done $0x0  }
0xea: {  	s15 =	sor.u32 s17, s18;
	s16 =	sadd.s32 s16, s19;
	[sflag:s26] =	ssyncadd.s32 $0xFFFFC000  }
0xeb: {  	s16 =	sadd.s32 s17, s16;
	v0 =	vld [tilespmem:s15+$0x8070]  }
0xec: {  	v7 =	vld [tilespmem:s16+$0x70]  }
0xed: {  	v6 =	vld [tilespmem:s16+$0x0]  }
0xee: {  	v5 =	vld [tilespmem:s16+$0x10]  }
0xef: {  	v4 =	vld [tilespmem:s16+$0x20]  }
0xf0: {  	v3 =	vld [tilespmem:s16+$0x30]  }
0xf1: {  	v1 =	vld [tilespmem:s16+$0x40]  }
0xf2: {  	v2 =	vld [tilespmem:s16+$0x50]  }
0xf3: {  	v8 =	vld [tilespmem:s15+$0x8000];
	v7 =	vadd.f32 v7, v0  }
0xf4: {  	v0 =	vld [tilespmem:s16+$0x60]  }
0xf5: {  	s16 =	simm.s32 $0x0;
	[tilespmem:s15+$0x8070] =	vst v7;
	v7 =	vld [tilespmem:s15+$0x8010]  }
.LBB2_11:
0xf6: {  	s16 =	sadd.s32 $0x8, s16;
	v9 =	vld [tilespmem:s15+$0x8020]  }
0xf7: {  	s13 =	sadd.s32 $0x400, s13;
	s17 =	sshll.u32 s16, $0x4;
	p0 =	slt.u32 s16, $0x3F8;
	v10 =	vld [tilespmem:s15+$0x8030]  }
0xf8: {  	s18 =	sand.u32 $0x1C00, s13;
	s19 =	sshll.u32 s16, $0x1;
	s17 =	sand.u32 $0x2000, s17;
	v11 =	vld [tilespmem:s15+$0x8040]  }
0xf9: {  	s19 =	sand.u32 $0x380, s19;
	s20 =	sor.u32 s18, s17;
	s17 =	sadd.s32 s17, s10;
	v6 =	vadd.f32 v6, v8;
	v8 =	vld [tilespmem:s15+$0x8050]  }
0xfa: {  	s20 =	sor.u32 s19, s20;
	s17 =	sadd.s32 s18, s17;
	v5 =	vadd.f32 v5, v7;
	v7 =	vld [tilespmem:s15+$0x8060]  }
0xfb: {  	s17 =	sadd.s32 s19, s17;
	v12 =	vld [tilespmem:s20+$0x8070];
	[tilespmem:s15+$0x8000] =	vst v6;
	v4 =	vadd.f32 v4, v9  }
0xfc: {  	v9 =	vld [tilespmem:s17+$0x70];
	[tilespmem:s15+$0x8010] =	vst v5;
	v3 =	vadd.f32 v3, v10  }
0xfd: {  	v6 =	vld [tilespmem:s17+$0x0];
	[tilespmem:s15+$0x8020] =	vst v4;
	v1 =	vadd.f32 v1, v11  }
0xfe: {  	v5 =	vld [tilespmem:s17+$0x10];
	[tilespmem:s15+$0x8030] =	vst v3;
	v2 =	vadd.f32 v2, v8  }
0xff: {  	v4 =	vld [tilespmem:s17+$0x20];
	[tilespmem:s15+$0x8040] =	vst v1;
	v0 =	vadd.f32 v0, v7  }
0x100: {  	v3 =	vld [tilespmem:s17+$0x30];
	[tilespmem:s15+$0x8050] =	vst v2  }
.Ltmp4:
0x101: {  	v1 =	vld [tilespmem:s17+$0x40];
	v7 =	vadd.f32 v9, v12;
	[tilespmem:s15+$0x8060] =	vst v0;
	s15 =	smov.u32 s20;
	(pc) =	sbr.rel @p0 .LBB2_11-.Ltmp4, $4  }
0x102: {  	v2 =	vld [tilespmem:s17+$0x50]  }
0x103: {  	v0 =	vld [tilespmem:s17+$0x60];
	[tilespmem:s15+$0x8070] =	vst v7  }
0x104: {  	v8 =	vld [tilespmem:s15+$0x8000]  }
0x105: {  	v7 =	vld [tilespmem:s15+$0x8010]  }
0x106: {  	v9 =	vld [tilespmem:s15+$0x8020]  }
0x107: {  	v10 =	vld [tilespmem:s15+$0x8030]  }
0x108: {  	v11 =	vld [tilespmem:s15+$0x8040]  }
0x109: {  	v6 =	vadd.f32 v6, v8;
	v8 =	vld [tilespmem:s15+$0x8050]  }
0x10a: {  	v5 =	vadd.f32 v5, v7;
	v7 =	vld [tilespmem:s15+$0x8060]  }
0x10b: {  	[tilespmem:s15+$0x8000] =	vst v6;
	v4 =	vadd.f32 v4, v9  }
0x10c: {  	v3 =	vadd.f32 v3, v10;
	[tilespmem:s15+$0x8010] =	vst v5  }
0x10d: {  	v1 =	vadd.f32 v1, v11;
	[tilespmem:s15+$0x8020] =	vst v4  }
0x10e: {  	[tilespmem:s15+$0x8030] =	vst v3;
	v2 =	vadd.f32 v2, v8  }
0x10f: {  	[tilespmem:s15+$0x8040] =	vst v1;
	v0 =	vadd.f32 v0, v7  }
0x110: {  	[tilespmem:s15+$0x8050] =	vst v2  }
0x111: {  	s13 =	sadd.s32 s4, s6;
	s6 =	simm.s32 $0x0;
	[tilespmem:s15+$0x8060] =	vst v0  }
0x112: {  	[hbm4b:s13+s6] =	stream.linear.scatter [tilespmem:s24], [sflag:$0x7], $0x4000, $0x38;
	[tilespmem:$0x18000] =	vst v63  }
0x113: {  	_ =	swait.ge [sflag:s3], $0x4000  }
0x114: {  	s18 =	rddreg [dreg:$0xd]  }
0x115: {  	s20 =	simm.s32 $0x0;
	s13 =	sadd.s32 s7, s18  }
0x116: {  	s17 =	simm.s32 $0x0;
	[sflag:s3] =	ssyncset.done $0x0;
	s13 =	sshll.u32 s13, $0x7  }
0x117: {  	s16 =	sand.u32 $0x1C00, s6;
	[sflag:s3] =	ssyncadd.s32 $0xFFFFC000;
	s19 =	sadd.s32 s1, s13  }
0x118: {  	[tilespmem:s28], [sflag:$0x5] =	stream.linear.gather [hbm4b:s19+s6], $0x4000, $0x38;
	[tilespmem:$0x18000] =	vst v63  }
0x119: {  	s17 =	sand.u32 $0x380, s17;
	s15 =	sand.u32 $0x2000, s20;
	_ =	swait.ge [sflag:s29], $0x4000  }
0x11a: {  	s18 =	sor.u32 s16, s15;
	s19 =	sadd.s32 s15, s10;
	[sflag:s29] =	ssyncset.done $0x0  }
0x11b: {  	s15 =	sor.u32 s17, s18;
	s16 =	sadd.s32 s16, s19;
	[sflag:s29] =	ssyncadd.s32 $0xFFFFC000  }
0x11c: {  	s16 =	sadd.s32 s17, s16;
	v0 =	vld [tilespmem:s15+$0xC070]  }
0x11d: {  	v7 =	vld [tilespmem:s16+$0x70]  }
0x11e: {  	v6 =	vld [tilespmem:s16+$0x0]  }
0x11f: {  	v5 =	vld [tilespmem:s16+$0x10]  }
0x120: {  	v4 =	vld [tilespmem:s16+$0x20]  }
0x121: {  	v3 =	vld [tilespmem:s16+$0x30]  }
0x122: {  	v1 =	vld [tilespmem:s16+$0x40]  }
0x123: {  	v2 =	vld [tilespmem:s16+$0x50]  }
0x124: {  	v8 =	vld [tilespmem:s15+$0xC000];
	v7 =	vadd.f32 v7, v0  }
0x125: {  	v0 =	vld [tilespmem:s16+$0x60]  }
0x126: {  	s16 =	simm.s32 $0x0;
	[tilespmem:s15+$0xC070] =	vst v7;
	v7 =	vld [tilespmem:s15+$0xC010]  }
.LBB2_13:
0x127: {  	s16 =	sadd.s32 $0x8, s16;
	v9 =	vld [tilespmem:s15+$0xC020]  }
0x128: {  	s6 =	sadd.s32 $0x400, s6;
	s17 =	sshll.u32 s16, $0x4;
	p0 =	slt.u32 s16, $0x3F8;
	v10 =	vld [tilespmem:s15+$0xC030]  }
0x129: {  	s18 =	sand.u32 $0x1C00, s6;
	s19 =	sshll.u32 s16, $0x1;
	s17 =	sand.u32 $0x2000, s17;
	v11 =	vld [tilespmem:s15+$0xC040]  }
0x12a: {  	s19 =	sand.u32 $0x380, s19;
	s20 =	sor.u32 s18, s17;
	s17 =	sadd.s32 s17, s10;
	v6 =	vadd.f32 v6, v8;
	v8 =	vld [tilespmem:s15+$0xC050]  }
0x12b: {  	s20 =	sor.u32 s19, s20;
	s17 =	sadd.s32 s18, s17;
	v5 =	vadd.f32 v5, v7;
	v7 =	vld [tilespmem:s15+$0xC060]  }
0x12c: {  	s17 =	sadd.s32 s19, s17;
	v12 =	vld [tilespmem:s20+$0xC070];
	[tilespmem:s15+$0xC000] =	vst v6;
	v4 =	vadd.f32 v4, v9  }
0x12d: {  	v9 =	vld [tilespmem:s17+$0x70];
	[tilespmem:s15+$0xC010] =	vst v5;
	v3 =	vadd.f32 v3, v10  }
0x12e: {  	v6 =	vld [tilespmem:s17+$0x0];
	[tilespmem:s15+$0xC020] =	vst v4;
	v1 =	vadd.f32 v1, v11  }
0x12f: {  	v5 =	vld [tilespmem:s17+$0x10];
	[tilespmem:s15+$0xC030] =	vst v3;
	v2 =	vadd.f32 v2, v8  }
0x130: {  	v4 =	vld [tilespmem:s17+$0x20];
	[tilespmem:s15+$0xC040] =	vst v1;
	v0 =	vadd.f32 v0, v7  }
0x131: {  	v3 =	vld [tilespmem:s17+$0x30];
	[tilespmem:s15+$0xC050] =	vst v2  }
.Ltmp5:
0x132: {  	v1 =	vld [tilespmem:s17+$0x40];
	v7 =	vadd.f32 v9, v12;
	[tilespmem:s15+$0xC060] =	vst v0;
	s15 =	smov.u32 s20;
	(pc) =	sbr.rel @p0 .LBB2_13-.Ltmp5, $4  }
0x133: {  	v2 =	vld [tilespmem:s17+$0x50]  }
0x134: {  	v0 =	vld [tilespmem:s17+$0x60];
	[tilespmem:s15+$0xC070] =	vst v7  }
0x135: {  	v8 =	vld [tilespmem:s15+$0xC000]  }
0x136: {  	v7 =	vld [tilespmem:s15+$0xC010]  }
0x137: {  	v9 =	vld [tilespmem:s15+$0xC020]  }
0x138: {  	v10 =	vld [tilespmem:s15+$0xC030]  }
0x139: {  	v11 =	vld [tilespmem:s15+$0xC040]  }
0x13a: {  	v6 =	vadd.f32 v6, v8;
	v8 =	vld [tilespmem:s15+$0xC050]  }
0x13b: {  	v5 =	vadd.f32 v5, v7;
	v7 =	vld [tilespmem:s15+$0xC060]  }
0x13c: {  	[tilespmem:s15+$0xC000] =	vst v6;
	v4 =	vadd.f32 v4, v9  }
0x13d: {  	v3 =	vadd.f32 v3, v10;
	[tilespmem:s15+$0xC010] =	vst v5  }
0x13e: {  	v1 =	vadd.f32 v1, v11;
	[tilespmem:s15+$0xC020] =	vst v4  }
0x13f: {  	[tilespmem:s15+$0xC030] =	vst v3;
	v2 =	vadd.f32 v2, v8  }
0x140: {  	[tilespmem:s15+$0xC040] =	vst v1;
	v0 =	vadd.f32 v0, v7  }
0x141: {  	[tilespmem:s15+$0xC050] =	vst v2  }
0x142: {  	s6 =	sadd.s32 s4, s11;
	s11 =	simm.s32 $0x0;
	[tilespmem:s15+$0xC060] =	vst v0  }
0x143: {  	[hbm4b:s6+s11] =	stream.linear.scatter [tilespmem:s25], [sflag:$0x8], $0x4000, $0x38;
	[tilespmem:$0x18000] =	vst v63  }
0x144: {  	_ =	swait.ge [sflag:s8], $0x4000  }
0x145: {  	s18 =	rddreg [dreg:$0xe]  }
0x146: {  	s20 =	simm.s32 $0x0;
	s6 =	sadd.s32 s7, s18  }
0x147: {  	s17 =	simm.s32 $0x0;
	[sflag:s8] =	ssyncset.done $0x0;
	s6 =	sshll.u32 s6, $0x7  }
0x148: {  	s16 =	sand.u32 $0x1C00, s11;
	[sflag:s8] =	ssyncadd.s32 $0xFFFFC000;
	s19 =	sadd.s32 s1, s6  }
0x149: {  	[tilespmem:s30], [sflag:$0x6] =	stream.linear.gather [hbm4b:s19+s11], $0x4000, $0x38;
	[tilespmem:$0x18000] =	vst v63  }
0x14a: {  	s17 =	sand.u32 $0x380, s17;
	s15 =	sand.u32 $0x2000, s20;
	_ =	swait.ge [sflag:s31], $0x4000  }
0x14b: {  	s18 =	sor.u32 s16, s15;
	s19 =	sadd.s32 s15, s10;
	[sflag:s31] =	ssyncset.done $0x0  }
0x14c: {  	s15 =	sor.u32 s17, s18;
	s16 =	sadd.s32 s16, s19;
	[sflag:s31] =	ssyncadd.s32 $0xFFFFC000  }
0x14d: {  	s16 =	sadd.s32 s17, s16;
	v0 =	vld [tilespmem:s15+$0x10070]  }
0x14e: {  	v7 =	vld [tilespmem:s16+$0x70]  }
0x14f: {  	v6 =	vld [tilespmem:s16+$0x0]  }
0x150: {  	v5 =	vld [tilespmem:s16+$0x10]  }
0x151: {  	v4 =	vld [tilespmem:s16+$0x20]  }
0x152: {  	v3 =	vld [tilespmem:s16+$0x30]  }
0x153: {  	v1 =	vld [tilespmem:s16+$0x40]  }
0x154: {  	v2 =	vld [tilespmem:s16+$0x50]  }
0x155: {  	v8 =	vld [tilespmem:s15+$0x10000];
	v7 =	vadd.f32 v7, v0  }
0x156: {  	v0 =	vld [tilespmem:s16+$0x60]  }
0x157: {  	s16 =	simm.s32 $0x0;
	[tilespmem:s15+$0x10070] =	vst v7;
	v7 =	vld [tilespmem:s15+$0x10010]  }
.LBB2_15:
0x158: {  	s16 =	sadd.s32 $0x8, s16;
	v9 =	vld [tilespmem:s15+$0x10020]  }
0x159: {  	s11 =	sadd.s32 $0x400, s11;
	s17 =	sshll.u32 s16, $0x4;
	p0 =	slt.u32 s16, $0x3F8;
	v10 =	vld [tilespmem:s15+$0x10030]  }
0x15a: {  	s18 =	sand.u32 $0x1C00, s11;
	s19 =	sshll.u32 s16, $0x1;
	s17 =	sand.u32 $0x2000, s17;
	v11 =	vld [tilespmem:s15+$0x10040]  }
0x15b: {  	s19 =	sand.u32 $0x380, s19;
	s20 =	sor.u32 s18, s17;
	s17 =	sadd.s32 s17, s10;
	v6 =	vadd.f32 v6, v8;
	v8 =	vld [tilespmem:s15+$0x10050]  }
0x15c: {  	s20 =	sor.u32 s19, s20;
	s17 =	sadd.s32 s18, s17;
	v5 =	vadd.f32 v5, v7;
	v7 =	vld [tilespmem:s15+$0x10060]  }
0x15d: {  	s17 =	sadd.s32 s19, s17;
	v12 =	vld [tilespmem:s20+$0x10070];
	[tilespmem:s15+$0x10000] =	vst v6;
	v4 =	vadd.f32 v4, v9  }
0x15e: {  	v9 =	vld [tilespmem:s17+$0x70];
	[tilespmem:s15+$0x10010] =	vst v5;
	v3 =	vadd.f32 v3, v10  }
0x15f: {  	v6 =	vld [tilespmem:s17+$0x0];
	[tilespmem:s15+$0x10020] =	vst v4;
	v1 =	vadd.f32 v1, v11  }
0x160: {  	v5 =	vld [tilespmem:s17+$0x10];
	[tilespmem:s15+$0x10030] =	vst v3;
	v2 =	vadd.f32 v2, v8  }
0x161: {  	v4 =	vld [tilespmem:s17+$0x20];
	[tilespmem:s15+$0x10040] =	vst v1;
	v0 =	vadd.f32 v0, v7  }
0x162: {  	v3 =	vld [tilespmem:s17+$0x30];
	[tilespmem:s15+$0x10050] =	vst v2  }
.Ltmp6:
0x163: {  	v1 =	vld [tilespmem:s17+$0x40];
	v7 =	vadd.f32 v9, v12;
	[tilespmem:s15+$0x10060] =	vst v0;
	s15 =	smov.u32 s20;
	(pc) =	sbr.rel @p0 .LBB2_15-.Ltmp6, $4  }
0x164: {  	v2 =	vld [tilespmem:s17+$0x50]  }
0x165: {  	v0 =	vld [tilespmem:s17+$0x60];
	[tilespmem:s15+$0x10070] =	vst v7  }
0x166: {  	v8 =	vld [tilespmem:s15+$0x10000]  }
0x167: {  	v7 =	vld [tilespmem:s15+$0x10010]  }
0x168: {  	v9 =	vld [tilespmem:s15+$0x10020]  }
0x169: {  	v10 =	vld [tilespmem:s15+$0x10030]  }
0x16a: {  	v11 =	vld [tilespmem:s15+$0x10040]  }
0x16b: {  	v6 =	vadd.f32 v6, v8;
	v8 =	vld [tilespmem:s15+$0x10050]  }
0x16c: {  	v5 =	vadd.f32 v5, v7;
	v7 =	vld [tilespmem:s15+$0x10060]  }
0x16d: {  	[tilespmem:s15+$0x10000] =	vst v6;
	v4 =	vadd.f32 v4, v9  }
0x16e: {  	v3 =	vadd.f32 v3, v10;
	[tilespmem:s15+$0x10010] =	vst v5  }
0x16f: {  	v1 =	vadd.f32 v1, v11;
	[tilespmem:s15+$0x10020] =	vst v4  }
0x170: {  	[tilespmem:s15+$0x10030] =	vst v3;
	v2 =	vadd.f32 v2, v8  }
0x171: {  	[tilespmem:s15+$0x10040] =	vst v1;
	v0 =	vadd.f32 v0, v7  }
0x172: {  	[tilespmem:s15+$0x10050] =	vst v2  }
0x173: {  	s11 =	sadd.s32 s4, s13;
	[tilespmem:s15+$0x10060] =	vst v0  }
0x174: {  	[hbm4b:s11+s5] =	stream.linear.scatter [tilespmem:s28], [sflag:$0x9], $0x4000, $0x38;
	[tilespmem:$0x18000] =	vst v63  }
0x175: {  	_ =	swait.ge [sflag:s2], $0x4000  }
0x176: {  	p0 =	seq.s32 s22, $0x5;
	s11 =	rddreg [dreg:$0x8]  }
0x177: {  	s16 =	simm.s32 $0x0;
	s11 =	sadd.s32 @!p0 s11, s7  }
0x178: {  	s13 =	simm.s32 @!p0 $0x0;
	[sflag:s2] =	ssyncset.done $0x0;
	s11 =	sshll.u32 @!p0 s11, $0x7  }
0x179: {  	s15 =	simm.s32 @!p0 $0x8000;
	[sflag:s2] =	ssyncadd.s32 $0xFFFFC000;
	s11 =	sadd.s32 @!p0 s1, s11  }
0x17a: {  	[tilespmem:s15], [sflag:$0x3] =	stream.linear.gather @!p0 [hbm4b:s11+s13], $0x4000, $0x38;
	[tilespmem:$0x18000] =	vst v63  }
0x17b: {  	s19 =	simm.s32 $0x0;
	s16 =	sand.u32 $0x380, s16;
	s13 =	simm.s32 $0x0  }
0x17c: {  	s11 =	sand.u32 $0x2000, s19;
	_ =	swait.ge [sflag:s0], $0x4000;
	s20 =	sand.u32 $0x1C00, s13  }
0x17d: {  	s18 =	sadd.s32 s11, s10;
	[sflag:s0] =	ssyncset.done $0x0;
	s17 =	sor.u32 s20, s11  }
0x17e: {  	s15 =	sadd.s32 s20, s18;
	[sflag:s0] =	ssyncadd.s32 $0xFFFFC000;
	s11 =	sor.u32 s16, s17  }
0x17f: {  	s15 =	sadd.s32 s16, s15;
	v0 =	vld [tilespmem:s11+$0x14070]  }
0x180: {  	v7 =	vld [tilespmem:s15+$0x70]  }
0x181: {  	v6 =	vld [tilespmem:s15+$0x0]  }
0x182: {  	v5 =	vld [tilespmem:s15+$0x10]  }
0x183: {  	v4 =	vld [tilespmem:s15+$0x20]  }
0x184: {  	v3 =	vld [tilespmem:s15+$0x30]  }
0x185: {  	v1 =	vld [tilespmem:s15+$0x40]  }
0x186: {  	v2 =	vld [tilespmem:s15+$0x50]  }
0x187: {  	v8 =	vld [tilespmem:s11+$0x14000];
	v7 =	vadd.f32 v7, v0  }
0x188: {  	v0 =	vld [tilespmem:s15+$0x60]  }
0x189: {  	s15 =	simm.s32 $0x0;
	[tilespmem:s11+$0x14070] =	vst v7;
	v7 =	vld [tilespmem:s11+$0x14010]  }
.LBB2_17:
0x18a: {  	s15 =	sadd.s32 $0x8, s15;
	v9 =	vld [tilespmem:s11+$0x14020]  }
0x18b: {  	s13 =	sadd.s32 $0x400, s13;
	s16 =	sshll.u32 s15, $0x4;
	p1 =	slt.u32 s15, $0x3F8;
	v10 =	vld [tilespmem:s11+$0x14030]  }
0x18c: {  	s17 =	sand.u32 $0x1C00, s13;
	s18 =	sshll.u32 s15, $0x1;
	s16 =	sand.u32 $0x2000, s16;
	v11 =	vld [tilespmem:s11+$0x14040]  }
0x18d: {  	s18 =	sand.u32 $0x380, s18;
	s19 =	sor.u32 s17, s16;
	s16 =	sadd.s32 s16, s10;
	v6 =	vadd.f32 v6, v8;
	v8 =	vld [tilespmem:s11+$0x14050]  }
0x18e: {  	s19 =	sor.u32 s18, s19;
	s16 =	sadd.s32 s17, s16;
	v5 =	vadd.f32 v5, v7;
	v7 =	vld [tilespmem:s11+$0x14060]  }
0x18f: {  	s16 =	sadd.s32 s18, s16;
	v12 =	vld [tilespmem:s19+$0x14070];
	[tilespmem:s11+$0x14000] =	vst v6;
	v4 =	vadd.f32 v4, v9  }
0x190: {  	v9 =	vld [tilespmem:s16+$0x70];
	[tilespmem:s11+$0x14010] =	vst v5;
	v3 =	vadd.f32 v3, v10  }
0x191: {  	v6 =	vld [tilespmem:s16+$0x0];
	[tilespmem:s11+$0x14020] =	vst v4;
	v1 =	vadd.f32 v1, v11  }
0x192: {  	v5 =	vld [tilespmem:s16+$0x10];
	[tilespmem:s11+$0x14030] =	vst v3;
	v2 =	vadd.f32 v2, v8  }
0x193: {  	v4 =	vld [tilespmem:s16+$0x20];
	[tilespmem:s11+$0x14040] =	vst v1;
	v0 =	vadd.f32 v0, v7  }
0x194: {  	v3 =	vld [tilespmem:s16+$0x30];
	[tilespmem:s11+$0x14050] =	vst v2  }
.Ltmp7:
0x195: {  	v1 =	vld [tilespmem:s16+$0x40];
	v7 =	vadd.f32 v9, v12;
	[tilespmem:s11+$0x14060] =	vst v0;
	s11 =	smov.u32 s19;
	(pc) =	sbr.rel @p1 .LBB2_17-.Ltmp7, $4  }
0x196: {  	v2 =	vld [tilespmem:s16+$0x50]  }
0x197: {  	v0 =	vld [tilespmem:s16+$0x60];
	[tilespmem:s11+$0x14070] =	vst v7  }
0x198: {  	v8 =	vld [tilespmem:s11+$0x14000]  }
0x199: {  	v7 =	vld [tilespmem:s11+$0x14010]  }
0x19a: {  	v9 =	vld [tilespmem:s11+$0x14020]  }
0x19b: {  	v10 =	vld [tilespmem:s11+$0x14030]  }
0x19c: {  	v11 =	vld [tilespmem:s11+$0x14040]  }
0x19d: {  	v62 =	vld [tilespmem:s11+$0x14050];
	v6 =	vadd.f32 v6, v8  }
0x19e: {  	v63 =	vld [tilespmem:s11+$0x14060];
	v5 =	vadd.f32 v5, v7  }
0x19f: {  	[tilespmem:s11+$0x14000] =	vst v6;
	v4 =	vadd.f32 v4, v9  }
0x1a0: {  	v3 =	vadd.f32 v3, v10;
	[tilespmem:s11+$0x14010] =	vst v5  }
0x1a1: {  	v1 =	vadd.f32 v1, v11;
	[tilespmem:s11+$0x14020] =	vst v4  }
0x1a2: {  	v2 =	vadd.f32 v2, v62;
	[tilespmem:s11+$0x14030] =	vst v3  }
0x1a3: {  	v0 =	vadd.f32 v0, v63;
	[tilespmem:s11+$0x14040] =	vst v1  }
0x1a4: {  	[tilespmem:s11+$0x14050] =	vst v2  }
0x1a5: {  	s6 =	sadd.s32 s4, s6;
	[tilespmem:s11+$0x14060] =	vst v0  }
0x1a6: {  	[hbm4b:s6+s5] =	stream.linear.scatter [tilespmem:s30], [sflag:$0xA], $0x4000, $0x38;
	[tilespmem:$0x18000] =	vst v63  }
0x1a7: {  	_ =	swait.ge [sflag:s23], $0x4000  }
0x1a8: {  	p1 =	sgt.u32 @!p0 s22, $0x3;
	s6 =	rddreg [dreg:$0xf]  }
0x1a9: {  	p1 =	por p1, p0;
	s6 =	sadd.s32 @!p0 s7, s6  }
0x1aa: {  	s11 =	simm.s32 @!p0 $0xC000;
	[sflag:s23] =	ssyncset.done $0x0;
	s6 =	sshll.u32 @!p0 s6, $0x7  }
0x1ab: {  	[sflag:s23] =	ssyncadd.s32 $0xFFFFC000;
	s7 =	simm.s32 @!p0 $0x0;
	s6 =	sadd.s32 @!p0 s1, s6  }
0x1ac: {  	[tilespmem:s11], [sflag:$0x4] =	stream.linear.gather @!p0 [hbm4b:s6+s7], $0x4000, $0x38;
	[tilespmem:$0x18000] =	vst v63  }
0x1ad: {  	s6 =	sshll.u32 @!p1 s22, $0xB;
	s7 =	rddreg [dreg:$0x10]  }
0x1ae: {  	s22 =	sadd.s32 @!p0 $0x1, s22;
	s6 =	sadd.s32 @!p1 s6, s7;
	s7 =	simm.s32 @!p1 $0x0  }
0x1af: {  	[tilespmem:s10], [sflag:s9] =	stream.linear.gather @!p1 [hbm4b:s6+s7], $0x4000, $0x38;
	[tilespmem:$0x18000] =	vst v63  }
0x1b0: {  	p1 =	sne.s32 @!p0 s22, $0x6  }
0x1b1: {  	p0 =	por p0, !p1  }
.Ltmp8:
0x1b2: {  	_ = 	snop;
	(pc) =	sbr.rel @!p0 .LBB2_2-.Ltmp8, $1  }
0x1b3: {  	_ =	sdelay $0x3  }
0x1b4: {  	_ =	swait.ge [sflag:s3], $0x4000  }
0x1b5: {  	[sflag:s3] =	ssyncset.done $0x0  }
0x1b6: {  	[sflag:s3] =	ssyncadd.s32 $0xFFFFC000  }
0x1b7: {  	_ =	swait.ge [sflag:s8], $0x4000  }
0x1b8: {  	s7 =	rddreg [dreg:$0x12]  }
0x1b9: {  	s6 =	rddreg [dreg:$0x11];
	s7 =	sadd.s32 $0x1, s7  }
0x1ba: {  	p0 =	sne.s32 s7, s6  }
.Ltmp9:
0x1bb: {  	_ = 	snop;
	(pc) =	sbr.rel @p0 .LBB2_1-.Ltmp9, $3  }
0x1bc: {  	_ =	sdelay $0x1  }
0x1bd: {  	[sflag:s8] =	ssyncset.done $0x0  }
0x1be: {  	[sflag:s8] =	ssyncadd.s32 $0xFFFFC000  }
0x1bf: {  	_ =	sfence.sel $0x180000  }
0x1c0: {  	[bflag:$0x0] =	sbarrier.arrive $0xFFFF  }
0x1c1: {  	_ =	strace $0x90000047  }
0x1c2: {  	s0 =	stileid.u32;
	[bflag:$0x2] =	sbarrier.arrive $0xFFFF  }
0x1c3: {  	p0 =	sne.s32 s0, $0x0;
	s0 =	rddreg [dreg:$0x3]  }
0x1c4: {  	s0 =	sadd.s32 @!p0 $0x100000, s0  }
0x1c5: {  	[sflag:s0] =	ssyncadd.tile.s32 @!p0 $0x1;
	_ =	shalt  }
.Lfunc_end2:
_tile_overlayer_lowered:
.L_overlay_start_2:
0x1c6: {  	(tag) =	ssettag $0x2  }
0x1c7: {  	s0 =	rddreg [dreg:$0x0];
	s2 =	stileid.u32  }
0x1c8: {  	s1 =	rddreg [dreg:$0x1];
	p0 =	sne.s32 s2, $0x0  }
0x1c9: {  	s3 =	rddreg [dreg:$0x2];
	[bflag:$0x3] =	sbarrier.arrive $0xFFFF;
	s2 =	simm.s32 @!p0 $0x1C0B  }
0x1ca: {  	[timem:s3], [sflag:s2] =	dma.local @!p0 [hbm:s0], s1  }
0x1cb: {  	s0 =	simm.s32 @!p0 $0xB  }
0x1cc: {  	_ =	swait.ge @!p0 [sflag:s0], s1  }
0x1cd: {  	s1 =	ssub.s32 @!p0 $0x0, s1;
	[sflag:s0] =	ssyncset.done @!p0 $0x0  }
0x1ce: {  	[sflag:s0] =	ssyncadd.s32 @!p0 s1  }
0x1cf: {  	[bflag:$0x3] =	sbarrier.arrive $0xFFFF  }
0x1d0: {  	_ =	shalt  }

</sc_bundles>
